<compile_context>
chip_gen: v7x
topology: tpu7x:2x2x1
jax: 0.10.2.dev20260603
libtpu: 0.0.44.dev20260713+nightly
codegen_flags: <defaults>
</compile_context>

<pallas_src>
import functools

import jax
import jax.numpy as jnp
from jax import lax
from jax.experimental import pallas as pl
from jax.experimental.pallas import tpu as pltpu
from jax.experimental.pallas import tpu_sc as plsc

B = 256
N = 256
EPG = 512
IN_C = 5
HID = 512
STEPS = 4
G = 8


_SC = plsc.get_sparse_core_info()
_NW = _SC.num_cores * _SC.num_subcores
_TOT = B * EPG
_CHUNK = _TOT // _NW
_VL = 16


def _sc_count(src_hbm, dst_hbm, out_hbm, s_v, d_v, acc_v):
    wid = lax.axis_index("s") * _SC.num_cores + lax.axis_index("c")
    base = wid * _CHUNK
    pltpu.sync_copy(src_hbm.at[pl.ds(base, _CHUNK)], s_v)
    pltpu.sync_copy(dst_hbm.at[pl.ds(base, _CHUNK)], d_v)

    def body(i, acc):
        sv = s_v[pl.ds(i * _VL, _VL)]
        dv = d_v[pl.ds(i * _VL, _VL)]
        return acc + jnp.where(sv == dv, 1.0, 0.0).astype(jnp.float32)

    acc = lax.fori_loop(0, _CHUNK // _VL, body,
                        jnp.zeros((_VL,), jnp.float32))
    acc_v[...] = acc
    pltpu.sync_copy(acc_v, out_hbm.at[wid])


def _main_kernel(cnt_ref, xT_ref, srow_ref, drow_ref, scol_ref, dcol_ref,
                 fdx_ref, nats_ref,
                 lin_bf_ref, linb_ref, g1_bf_ref, g1b_ref, g2_bf_ref, g2b_ref,
                 flT_ref, flb_ref, m1T_ref, m1b_ref, m2T_ref, m2b_ref,
                 m3T_ref, m3b_ref, out_ref):
    p = pl.program_id(0)
    x = jnp.concatenate([xT_ref[g] for g in range(G)], axis=1)

    n_iota_r = jax.lax.broadcasted_iota(jnp.int32, (N, EPG), 0)
    n_iota_c = jax.lax.broadcasted_iota(jnp.int32, (EPG, N), 1)
    ir = jax.lax.broadcasted_iota(jnp.int32, (N, N), 0)
    ic = jax.lax.broadcasted_iota(jnp.int32, (N, N), 1)
    eye = jnp.where(ir == ic, 1.0, 0.0)
    STs, Ds = [], []
    for g in range(G):
        srow = srow_ref[g]
        drow = drow_ref[g]
        scol = scol_ref[g]
        dcol = dcol_ref[g]
        ST = jnp.where((n_iota_r == srow) & (srow != drow), 1.0, 0.0)
        D = jnp.where((n_iota_c == dcol) & (scol != dcol), 1.0, 0.0)
        c_tot = jnp.sum(jnp.sum(cnt_ref[...], axis=1, keepdims=True),
                        axis=0, keepdims=True)
        c_extra = jnp.where((p == 0) & (g == 0), c_tot, 0.0)
        eye_d = eye + jnp.where((ir == 0) & (ic == 0), c_extra, 0.0)
        STs.append(jnp.concatenate([ST, eye], axis=1))
        Ds.append(jnp.concatenate([D, eye_d], axis=0))

    def prop(v):
        outs = []
        for g in range(G):
            vg = v[:, g * N:(g + 1) * N]
            tmp = jnp.dot(vg, STs[g], preferred_element_type=jnp.float32,
                    precision=jax.lax.Precision.HIGHEST)
            outs.append(jnp.dot(tmp, Ds[g],
                    preferred_element_type=jnp.float32,
                    precision=jax.lax.Precision.HIGHEST))
        return jnp.concatenate(outs, axis=1)

    for gc in range(STEPS):
        if gc > 0:
            h = jnp.tanh(jnp.dot(lin_bf_ref[gc], x.astype(jnp.bfloat16),
                                 preferred_element_type=jnp.float32)
                         + linb_ref[gc])
            h = jnp.tanh(jnp.dot(g1_bf_ref[gc], h.astype(jnp.bfloat16),
                                 preferred_element_type=jnp.float32)
                         + g1b_ref[gc])
            x = jnp.dot(g2_bf_ref[gc], h.astype(jnp.bfloat16),
                        preferred_element_type=jnp.float32) + g2b_ref[gc]
        x = prop(x)

    lane = jax.lax.broadcasted_iota(jnp.int32, (1, N), 1)
    ms = []
    for g in range(G):
        xg = x[:, g * N:(g + 1) * N]
        mask = (lane < nats_ref[g]) & (fdx_ref[g] == 1)
        m = jnp.max(jnp.where(mask, xg, -jnp.inf), axis=1, keepdims=True)
        ms.append(jnp.where(jnp.isfinite(m), m, 0.0))
    m = jnp.concatenate(ms, axis=1)

    h = jnp.tanh(jnp.dot(flT_ref[...], m.astype(jnp.bfloat16),
                         preferred_element_type=jnp.float32) + flb_ref[...])
    h = jnp.tanh(jnp.dot(m1T_ref[...], h.astype(jnp.bfloat16),
                         preferred_element_type=jnp.float32) + m1b_ref[...])
    h = jnp.tanh(jnp.dot(m2T_ref[...], h.astype(jnp.bfloat16),
                         preferred_element_type=jnp.float32) + m2b_ref[...])
    o = jnp.dot(m3T_ref[...], h.astype(jnp.bfloat16),
                preferred_element_type=jnp.float32) + m3b_ref[...]
    out_ref[0] = o


def _full_spec(shape):
    nd = len(shape)
    return pl.BlockSpec(shape, lambda p, _nd=nd: (0,) * _nd)


def kernel(inputs, labels, rval, findex, nats, lin_W, lin_b, g1_W, g1_b,
           g2_W, g2_b, fl_W, fl_b, m1_W, m1_b, m2_W, m2_b, m3_W, m3_b):
    src = labels[:, :, 0]
    dst = labels[:, :, 1]
    srow = src.reshape(B, 1, EPG)
    drow = dst.reshape(B, 1, EPG)
    scol = src.reshape(B, EPG, 1)
    dcol = dst.reshape(B, EPG, 1)
    xT = inputs.transpose(0, 2, 1)
    fdx = findex[:, :, 0].reshape(B, 1, N)
    natsr = nats.reshape(B, 1, 1)

    lin_bf = lin_W.transpose(0, 2, 1).astype(jnp.bfloat16)
    linb = lin_b[:, :, None]
    g1_bf = g1_W.transpose(0, 2, 1).astype(jnp.bfloat16)
    g1b = g1_b[:, :, None]
    g2_bf = g2_W.transpose(0, 2, 1).astype(jnp.bfloat16)
    g2b = g2_b[:, :, None]
    flT = fl_W.T.astype(jnp.bfloat16)
    flb = fl_b[:, None]
    m1T = m1_W.T.astype(jnp.bfloat16)
    m1b = m1_b[:, None]
    m2T = m2_W.T.astype(jnp.bfloat16)
    m2b = m2_b[:, None]
    m3T = m3_W.T.astype(jnp.bfloat16)
    m3b = m3_b[:, None]

    sc_count = functools.partial(
        pl.kernel, _sc_count,
        mesh=plsc.VectorSubcoreMesh(core_axis_name="c", subcore_axis_name="s"),
        out_type=jax.ShapeDtypeStruct((_NW, _VL), jnp.float32),
        scratch_types=[
            pltpu.VMEM((_CHUNK,), jnp.int32),
            pltpu.VMEM((_CHUNK,), jnp.int32),
            pltpu.VMEM((_VL,), jnp.float32),
        ],
    )
    cnt = sc_count()(src.reshape(_TOT), dst.reshape(_TOT))

    grid = (B // G,)
    in_specs = [
        _full_spec((_NW, _VL)),
        pl.BlockSpec((G, IN_C, N), lambda p: (p, 0, 0)),
        pl.BlockSpec((G, 1, EPG), lambda p: (p, 0, 0)),
        pl.BlockSpec((G, 1, EPG), lambda p: (p, 0, 0)),
        pl.BlockSpec((G, EPG, 1), lambda p: (p, 0, 0)),
        pl.BlockSpec((G, EPG, 1), lambda p: (p, 0, 0)),
        pl.BlockSpec((G, 1, N), lambda p: (p, 0, 0)),
        pl.BlockSpec((G, 1, 1), lambda p: (p, 0, 0)),
        _full_spec((STEPS, HID, IN_C)),
        _full_spec((STEPS, HID, 1)),
        _full_spec((STEPS, HID, HID)),
        _full_spec((STEPS, HID, 1)),
        _full_spec((STEPS, IN_C, HID)),
        _full_spec((STEPS, IN_C, 1)),
        _full_spec((64, IN_C)),
        _full_spec((64, 1)),
        _full_spec((32, 64)),
        _full_spec((32, 1)),
        _full_spec((16, 32)),
        _full_spec((16, 1)),
        _full_spec((1, 16)),
        _full_spec((1, 1)),
    ]
    out = pl.pallas_call(
        _main_kernel,
        grid=grid,
        in_specs=in_specs,
        out_specs=pl.BlockSpec((1, 1, G), lambda p: (p, 0, 0)),
        out_shape=jax.ShapeDtypeStruct((B // G, 1, G), jnp.float32),
        compiler_params=pltpu.CompilerParams(
            dimension_semantics=("arbitrary",),
        ),
    )(cnt, xT, srow, drow, scol, dcol, fdx, natsr,
      lin_bf, linb, g1_bf, g1b, g2_bf, g2b,
      flT, flb, m1T, m1b, m2T, m2b, m3T, m3b)
    return out.reshape(B, 1)

# --- scband reference (transcript-rebuilt; emitter-appended) ---
"""Pipeline reference for scband-designn-50130858279832 (READ-ONLY COPY).

The authoritative reference and input builder live on the scoring server;
editing this copy changes nothing except your own understanding.
"""

import jax, jax.numpy as jnp
import numpy as np

B = 256
N = 256
EPG = 512
IN_C = 5
HID = 512
STEPS = 4


def _uniform(key, shape, fan_in):
    bound = 1.0 / np.sqrt(fan_in)
    return jax.random.uniform(key, shape, jnp.float32, -bound, bound)


def setup_inputs(seed: int = 0):
    key = jax.random.key(seed)
    ks = jax.random.split(key, 24)
    inputs = jax.random.normal(ks[0], (B, N, IN_C), dtype=jnp.float32)
    labels = jax.random.randint(ks[1], (B, EPG, 2), 0, N, dtype=jnp.int32)
    rval = jax.random.normal(ks[2], (B,), dtype=jnp.float32)
    findex = jax.random.randint(ks[3], (B, N, 1), 0, 2, dtype=jnp.int32)
    nats = jax.random.randint(ks[4], (B,), 0, N - 1, dtype=jnp.int32)
    lin_W = _uniform(ks[5], (STEPS, IN_C, HID), IN_C)
    lin_b = _uniform(ks[6], (STEPS, HID), IN_C)
    g1_W = _uniform(ks[7], (STEPS, HID, HID), HID)
    g1_b = _uniform(ks[8], (STEPS, HID), HID)
    g2_W = _uniform(ks[9], (STEPS, HID, IN_C), HID)
    g2_b = _uniform(ks[10], (STEPS, IN_C), HID)
    fl_W = _uniform(ks[11], (5, 64), 5)
    fl_b = _uniform(ks[12], (64,), 5)
    m1_W = _uniform(ks[13], (64, 32), 64)
    m1_b = _uniform(ks[14], (32,), 64)
    m2_W = _uniform(ks[15], (32, 16), 32)
    m2_b = _uniform(ks[16], (16,), 32)
    m3_W = _uniform(ks[17], (16, 1), 16)
    m3_b = _uniform(ks[18], (1,), 16)
    return {"inputs": inputs, "labels": labels, "rval": rval, "findex": findex,
            "nats": nats, "lin_W": lin_W, "lin_b": lin_b, "g1_W": g1_W, "g1_b": g1_b,
            "g2_W": g2_W, "g2_b": g2_b, "fl_W": fl_W, "fl_b": fl_b, "m1_W": m1_W,
            "m1_b": m1_b, "m2_W": m2_W, "m2_b": m2_b, "m3_W": m3_W, "m3_b": m3_b}


def reference(inputs, labels, rval, findex, nats, lin_W, lin_b, g1_W, g1_b,
              g2_W, g2_b, fl_W, fl_b, m1_W, m1_b, m2_W, m2_b, m3_W, m3_b):
    num_nodes = B * N
    # pygdata: offset per-graph edge indices into a global node index space;
    # self-loop edges in the raw list are remapped to (0, 0)
    offs = (jnp.arange(B, dtype=labels.dtype) * N)[:, None]
    src = labels[:, :, 0] + offs
    dst = labels[:, :, 1] + offs
    eq = src == dst
    src = jnp.where(eq, 0, src).reshape(-1)
    dst = jnp.where(eq, 0, dst).reshape(-1)
    # add_self_loops
    loop = jnp.arange(num_nodes, dtype=src.dtype)
    src = jnp.concatenate([src, loop])
    dst = jnp.concatenate([dst, loop])
    x = inputs.reshape(num_nodes, IN_C)
    # message passing: layer 0 skips the MLP (gc > 0 gate); aggr='add' with message=x_j
    for gc in range(STEPS):
        if gc > 0:
            h = jnp.tanh(x @ lin_W[gc] + lin_b[gc])
            h = jnp.tanh(h @ g1_W[gc] + g1_b[gc])
            x = h @ g2_W[gc] + g2_b[gc]
        x = jax.ops.segment_sum(x[src], dst, num_segments=num_nodes)
    # pooling_choices: per graph p, node k -> segment 3p (k < nats[p] and findex==1),
    # 3p+1 (k < nats[p] and findex==0), 3p+2 (k >= nats[p])
    k_idx = jnp.arange(N, dtype=nats.dtype)[None, :]
    base = (3 * jnp.arange(B, dtype=jnp.int32))[:, None]
    f = findex[:, :, 0]
    bach = jnp.where(k_idx >= nats[:, None], base + 2,
                     jnp.where(f == 0, base + 1, base)).reshape(-1)
    pooled = jax.ops.segment_max(x, bach, num_segments=3 * B)
    pooled = jnp.where(jnp.isfinite(pooled), pooled, 0.0)
    # node_doublepool: keep every 3rd pooled row
    ndp = pooled[::3]
    h = jnp.tanh(ndp @ fl_W + fl_b)
    h = jnp.tanh(h @ m1_W + m1_b)
    # Dropout(0.2) is identity in eval mode
    h = jnp.tanh(h @ m2_W + m2_b)
    return h @ m3_W + m3_b

if __name__ == "__main__":
    import jax
    _d = setup_inputs()
    print(jax.jit(kernel)(*tuple(_d.values())))

</pallas_src>

<mosaic_0001>
#map = affine_map<(d0, d1) -> (0)>
#map1 = affine_map<(d0, d1) -> (0, 0)>
module attributes {stable_mosaic.version = 14 : i64} {
  func.func @_sc_count(%arg0: i32, %arg1: i32, %arg2: memref<131072xi32, #tpu.memory_space<hbm>>, %arg3: memref<131072xi32, #tpu.memory_space<hbm>>, %arg4: memref<32x16xf32, #tpu.memory_space<hbm>>, %arg5: memref<4096xi32, #tpu.memory_space<vmem>>, %arg6: memref<4096xi32, #tpu.memory_space<vmem>>, %arg7: memref<16xf32, #tpu.memory_space<vmem>>) attributes {dimension_semantics = [#tpu.dimension_semantics<core_parallel>, #tpu.dimension_semantics<subcore_parallel>], iteration_bounds = array<i64: 2, 16>, scalar_prefetch = 0 : i64, scratch_operands = 3 : i64, tpu.core_type = #tpu.core_type<sc_vector_subcore>, window_params = [{transform_indices = #map}, {transform_indices = #map}, {transform_indices = #map1}]} {
    %mul3A = arith.constant 2 : i32
    %mul3A_0 = arith.muli %arg1, %mul3A : i32
    %add3A = arith.addi %mul3A_0, %arg0 : i32
    %mul3A_1 = arith.constant 4096 : i32
    %mul3A_2 = arith.muli %add3A, %mul3A_1 : i32
    "tpu.region"() ({
      %run_scoped3A = tpu.sem_alloc : memref<!tpu.dma_semaphore, #tpu.memory_space<semaphore_mem>>
      %dma_start3A = tpu.memref_slice %arg2[%mul3A_2] : memref<131072xi32, #tpu.memory_space<hbm>> -> memref<4096xi32, #tpu.memory_space<hbm>>
      %dma_start3A_12 = tpu.memref_slice %arg2[%mul3A_2] : memref<131072xi32, #tpu.memory_space<hbm>> -> memref<4096xi32, #tpu.memory_space<hbm>>
      tpu.enqueue_dma source(%dma_start3A_12 : memref<4096xi32, #tpu.memory_space<hbm>>) target(%arg5 : memref<4096xi32, #tpu.memory_space<vmem>>) target_semaphore(%run_scoped3A : memref<!tpu.dma_semaphore, #tpu.memory_space<semaphore_mem>>)
      %dma_wait3A = tpu.memref_slice %arg2[%mul3A_2] : memref<131072xi32, #tpu.memory_space<hbm>> -> memref<4096xi32, #tpu.memory_space<hbm>>
      %dma_wait3A_13 = tpu.memref_slice %arg2[%mul3A_2] : memref<131072xi32, #tpu.memory_space<hbm>> -> memref<4096xi32, #tpu.memory_space<hbm>>
      tpu.wait_dma2 semaphore(%run_scoped3A : memref<!tpu.dma_semaphore, #tpu.memory_space<semaphore_mem>>) src(%dma_wait3A_13 : memref<4096xi32, #tpu.memory_space<hbm>>) dst(%arg5 : memref<4096xi32, #tpu.memory_space<vmem>>)
      tpu.yield
    }) : () -> ()
    "tpu.region"() ({
      %run_scoped3A = tpu.sem_alloc : memref<!tpu.dma_semaphore, #tpu.memory_space<semaphore_mem>>
      %dma_start3A = tpu.memref_slice %arg3[%mul3A_2] : memref<131072xi32, #tpu.memory_space<hbm>> -> memref<4096xi32, #tpu.memory_space<hbm>>
      %dma_start3A_12 = tpu.memref_slice %arg3[%mul3A_2] : memref<131072xi32, #tpu.memory_space<hbm>> -> memref<4096xi32, #tpu.memory_space<hbm>>
      tpu.enqueue_dma source(%dma_start3A_12 : memref<4096xi32, #tpu.memory_space<hbm>>) target(%arg6 : memref<4096xi32, #tpu.memory_space<vmem>>) target_semaphore(%run_scoped3A : memref<!tpu.dma_semaphore, #tpu.memory_space<semaphore_mem>>)
      %dma_wait3A = tpu.memref_slice %arg3[%mul3A_2] : memref<131072xi32, #tpu.memory_space<hbm>> -> memref<4096xi32, #tpu.memory_space<hbm>>
      %dma_wait3A_13 = tpu.memref_slice %arg3[%mul3A_2] : memref<131072xi32, #tpu.memory_space<hbm>> -> memref<4096xi32, #tpu.memory_space<hbm>>
      tpu.wait_dma2 semaphore(%run_scoped3A : memref<!tpu.dma_semaphore, #tpu.memory_space<semaphore_mem>>) src(%dma_wait3A_13 : memref<4096xi32, #tpu.memory_space<hbm>>) dst(%arg6 : memref<4096xi32, #tpu.memory_space<vmem>>)
      tpu.yield
    }) : () -> ()
    %broadcast_in_dim3A = arith.constant 0.000000e+00 : f32
    %broadcast_in_dim3A_3 = vector.broadcast %broadcast_in_dim3A : f32 to vector<16xf32>
    %scan3A = arith.constant 0 : i32
    %scan3A_4 = arith.constant 256 : i32
    %scan3A_5 = arith.addi %scan3A, %scan3A_4 : i32
    %scan3A_6 = arith.constant 1 : i32
    %scan3A_7 = scf.for %scan3A_12 = %scan3A to %scan3A_5 step %scan3A_6 iter_args(%scan3A_13 = %broadcast_in_dim3A_3) -> (vector<16xf32>)  : i32 {
      %mul3A_14 = arith.constant 16 : i32
      %mul3A_15 = arith.muli %scan3A_12, %mul3A_14 : i32
      %get3A = arith.index_cast %mul3A_15 : i32 to index
      %get3A_16 = tpu.vector_load %arg5[%get3A] {strides = array<i32>} : memref<4096xi32, #tpu.memory_space<vmem>>, vector<16xi32>,
      %get3A_17 = vector.shape_cast %get3A_16 : vector<16xi32> to vector<16xi32>
      %mul3A_18 = arith.constant 16 : i32
      %mul3A_19 = arith.muli %scan3A_12, %mul3A_18 : i32
      %get3A_20 = arith.index_cast %mul3A_19 : i32 to index
      %get3A_21 = tpu.vector_load %arg6[%get3A_20] {strides = array<i32>} : memref<4096xi32, #tpu.memory_space<vmem>>, vector<16xi32>,
      %get3A_22 = vector.shape_cast %get3A_21 : vector<16xi32> to vector<16xi32>
      %eq3A = arith.cmpi eq, %get3A_17, %get3A_22 : vector<16xi32>
      %jit3A = arith.constant 1.000000e+00 : f32
      %jit3A_23 = arith.constant 0.000000e+00 : f32
      %broadcast_in_dim3A_24 = vector.broadcast %jit3A : f32 to vector<16xf32>
      %broadcast_in_dim3A_25 = vector.broadcast %jit3A_23 : f32 to vector<16xf32>
      %select_n3A = arith.select %eq3A, %broadcast_in_dim3A_24, %broadcast_in_dim3A_25 : vector<16xi1>, vector<16xf32>
      %add3A_26 = arith.addf %scan3A_13, %select_n3A : vector<16xf32>
      scf.yield %add3A_26 : vector<16xf32>
    }
    %scan3A_8 = arith.constant 256 : i32
    %swap3A = arith.constant 0 : index
    %swap3A_9 = tpu.vector_load %arg7[%swap3A] {strides = array<i32>} : memref<16xf32, #tpu.memory_space<vmem>>, vector<16xf32>,
    %swap3A_10 = vector.shape_cast %swap3A_9 : vector<16xf32> to vector<16xf32>
    %swap3A_11 = vector.shape_cast %scan3A_7 : vector<16xf32> to vector<16xf32>
    tpu.vector_store %arg7[%swap3A], %swap3A_11 {strides = array<i32>} : memref<16xf32, #tpu.memory_space<vmem>>, vector<16xf32>,
    "tpu.region"() ({
      %run_scoped3A = tpu.sem_alloc : memref<!tpu.dma_semaphore, #tpu.memory_space<semaphore_mem>>
      %dma_start3A = arith.constant 0 : i32
      %dma_start3A_12 = tpu.memref_slice %arg4[%add3A, %dma_start3A] : memref<32x16xf32, #tpu.memory_space<hbm>> -> memref<1x16xf32, #tpu.memory_space<hbm>>
      %dma_start3A_13 = tpu.memref_squeeze %dma_start3A_12 : memref<1x16xf32, #tpu.memory_space<hbm>> -> memref<16xf32, #tpu.memory_space<hbm>>
      %dma_start3A_14 = arith.constant 0 : i32
      %dma_start3A_15 = tpu.memref_slice %arg4[%add3A, %dma_start3A_14] : memref<32x16xf32, #tpu.memory_space<hbm>> -> memref<1x16xf32, #tpu.memory_space<hbm>>
      %dma_start3A_16 = tpu.memref_squeeze %dma_start3A_15 : memref<1x16xf32, #tpu.memory_space<hbm>> -> memref<16xf32, #tpu.memory_space<hbm>>
      tpu.enqueue_dma source(%arg7 : memref<16xf32, #tpu.memory_space<vmem>>) target(%dma_start3A_16 : memref<16xf32, #tpu.memory_space<hbm>>) target_semaphore(%run_scoped3A : memref<!tpu.dma_semaphore, #tpu.memory_space<semaphore_mem>>)
      %dma_wait3A = arith.constant 0 : i32
      %dma_wait3A_17 = tpu.memref_slice %arg4[%add3A, %dma_wait3A] : memref<32x16xf32, #tpu.memory_space<hbm>> -> memref<1x16xf32, #tpu.memory_space<hbm>>
      %dma_wait3A_18 = tpu.memref_squeeze %dma_wait3A_17 : memref<1x16xf32, #tpu.memory_space<hbm>> -> memref<16xf32, #tpu.memory_space<hbm>>
      %dma_wait3A_19 = arith.constant 0 : i32
      %dma_wait3A_20 = tpu.memref_slice %arg4[%add3A, %dma_wait3A_19] : memref<32x16xf32, #tpu.memory_space<hbm>> -> memref<1x16xf32, #tpu.memory_space<hbm>>
      %dma_wait3A_21 = tpu.memref_squeeze %dma_wait3A_20 : memref<1x16xf32, #tpu.memory_space<hbm>> -> memref<16xf32, #tpu.memory_space<hbm>>
      tpu.wait_dma2 semaphore(%run_scoped3A : memref<!tpu.dma_semaphore, #tpu.memory_space<semaphore_mem>>) src(%arg7 : memref<16xf32, #tpu.memory_space<vmem>>) dst(%dma_wait3A_21 : memref<16xf32, #tpu.memory_space<hbm>>)
      tpu.yield
    }) : () -> ()
    return
  }
}

module attributes {stable_mosaic.version = 14 : i64} {
  func.func @_main_kernel(%arg0: i32, %arg1: memref<32x16xf32, #tpu.memory_space<vmem>>, %arg2: memref<8x5x256xf32, #tpu.memory_space<vmem>>, %arg3: memref<8x1x512xi32, #tpu.memory_space<vmem>>, %arg4: memref<8x1x512xi32, #tpu.memory_space<vmem>>, %arg5: memref<8x512x1xi32, #tpu.memory_space<vmem>>, %arg6: memref<8x512x1xi32, #tpu.memory_space<vmem>>, %arg7: memref<8x1x256xi32, #tpu.memory_space<vmem>>, %arg8: memref<8x1x1xi32, #tpu.memory_space<vmem>>, %arg9: memref<4x512x5xbf16, #tpu.memory_space<vmem>>, %arg10: memref<4x512x1xf32, #tpu.memory_space<vmem>>, %arg11: memref<4x512x512xbf16, #tpu.memory_space<vmem>>, %arg12: memref<4x512x1xf32, #tpu.memory_space<vmem>>, %arg13: memref<4x5x512xbf16, #tpu.memory_space<vmem>>, %arg14: memref<4x5x1xf32, #tpu.memory_space<vmem>>, %arg15: memref<64x5xbf16, #tpu.memory_space<vmem>>, %arg16: memref<64x1xf32, #tpu.memory_space<vmem>>, %arg17: memref<32x64xbf16, #tpu.memory_space<vmem>>, %arg18: memref<32x1xf32, #tpu.memory_space<vmem>>, %arg19: memref<16x32xbf16, #tpu.memory_space<vmem>>, %arg20: memref<16x1xf32, #tpu.memory_space<vmem>>, %arg21: memref<1x16xbf16, #tpu.memory_space<vmem>>, %arg22: memref<1x1xf32, #tpu.memory_space<vmem>>, %arg23: memref<1x1x8xf32, #tpu.memory_space<vmem>>) attributes {dimension_semantics = [#tpu.dimension_semantics<arbitrary>], iteration_bounds = array<i64: 32>, scalar_prefetch = 0 : i64, scratch_operands = 0 : i64, tpu.core_type = #tpu.core_type<tc>, window_params = [{pipeline_mode = #tpu.pipeline_mode<synchronous>, transform_indices = @transform_0, window_bounds = array<i64: 32, 16>}, {transform_indices = @transform_1, window_bounds = array<i64: 8, 5, 256>}, {transform_indices = @transform_2, window_bounds = array<i64: 8, 1, 512>}, {transform_indices = @transform_3, window_bounds = array<i64: 8, 1, 512>}, {transform_indices = @transform_4, window_bounds = array<i64: 8, 512, 1>}, {transform_indices = @transform_5, window_bounds = array<i64: 8, 512, 1>}, {transform_indices = @transform_6, window_bounds = array<i64: 8, 1, 256>}, {transform_indices = @transform_7, window_bounds = array<i64: 8, 1, 1>}, {pipeline_mode = #tpu.pipeline_mode<synchronous>, transform_indices = @transform_8, window_bounds = array<i64: 4, 512, 5>}, {pipeline_mode = #tpu.pipeline_mode<synchronous>, transform_indices = @transform_9, window_bounds = array<i64: 4, 512, 1>}, {pipeline_mode = #tpu.pipeline_mode<synchronous>, transform_indices = @transform_10, window_bounds = array<i64: 4, 512, 512>}, {pipeline_mode = #tpu.pipeline_mode<synchronous>, transform_indices = @transform_11, window_bounds = array<i64: 4, 512, 1>}, {pipeline_mode = #tpu.pipeline_mode<synchronous>, transform_indices = @transform_12, window_bounds = array<i64: 4, 5, 512>}, {pipeline_mode = #tpu.pipeline_mode<synchronous>, transform_indices = @transform_13, window_bounds = array<i64: 4, 5, 1>}, {pipeline_mode = #tpu.pipeline_mode<synchronous>, transform_indices = @transform_14, window_bounds = array<i64: 64, 5>}, {pipeline_mode = #tpu.pipeline_mode<synchronous>, transform_indices = @transform_15, window_bounds = array<i64: 64, 1>}, {pipeline_mode = #tpu.pipeline_mode<synchronous>, transform_indices = @transform_16, window_bounds = array<i64: 32, 64>}, {pipeline_mode = #tpu.pipeline_mode<synchronous>, transform_indices = @transform_17, window_bounds = array<i64: 32, 1>}, {pipeline_mode = #tpu.pipeline_mode<synchronous>, transform_indices = @transform_18, window_bounds = array<i64: 16, 32>}, {pipeline_mode = #tpu.pipeline_mode<synchronous>, transform_indices = @transform_19, window_bounds = array<i64: 16, 1>}, {pipeline_mode = #tpu.pipeline_mode<synchronous>, transform_indices = @transform_20, window_bounds = array<i64: 1, 16>}, {pipeline_mode = #tpu.pipeline_mode<synchronous>, transform_indices = @transform_21, window_bounds = array<i64: 1, 1>}, {transform_indices = @transform_22, window_bounds = array<i64: 1, 1, 8>}]} {
    %get3A = arith.constant 0 : index
    %get3A_0 = arith.constant 0 : index
    %get3A_1 = arith.constant 0 : index
    %get3A_2 = vector.load %arg2[%get3A, %get3A_0, %get3A_1] : memref<8x5x256xf32, #tpu.memory_space<vmem>>, vector<1x5x256xf32>
    %get3A_3 = vector.shape_cast %get3A_2 : vector<1x5x256xf32> to vector<5x256xf32>
    %get3A_4 = arith.constant 1 : index
    %get3A_5 = arith.constant 0 : index
    %get3A_6 = arith.constant 0 : index
    %get3A_7 = vector.load %arg2[%get3A_4, %get3A_5, %get3A_6] : memref<8x5x256xf32, #tpu.memory_space<vmem>>, vector<1x5x256xf32>
    %get3A_8 = vector.shape_cast %get3A_7 : vector<1x5x256xf32> to vector<5x256xf32>
    %get3A_9 = arith.constant 2 : index
    %get3A_10 = arith.constant 0 : index
    %get3A_11 = arith.constant 0 : index
    %get3A_12 = vector.load %arg2[%get3A_9, %get3A_10, %get3A_11] : memref<8x5x256xf32, #tpu.memory_space<vmem>>, vector<1x5x256xf32>
    %get3A_13 = vector.shape_cast %get3A_12 : vector<1x5x256xf32> to vector<5x256xf32>
    %get3A_14 = arith.constant 3 : index
    %get3A_15 = arith.constant 0 : index
    %get3A_16 = arith.constant 0 : index
    %get3A_17 = vector.load %arg2[%get3A_14, %get3A_15, %get3A_16] : memref<8x5x256xf32, #tpu.memory_space<vmem>>, vector<1x5x256xf32>
    %get3A_18 = vector.shape_cast %get3A_17 : vector<1x5x256xf32> to vector<5x256xf32>
    %get3A_19 = arith.constant 4 : index
    %get3A_20 = arith.constant 0 : index
    %get3A_21 = arith.constant 0 : index
    %get3A_22 = vector.load %arg2[%get3A_19, %get3A_20, %get3A_21] : memref<8x5x256xf32, #tpu.memory_space<vmem>>, vector<1x5x256xf32>
    %get3A_23 = vector.shape_cast %get3A_22 : vector<1x5x256xf32> to vector<5x256xf32>
    %get3A_24 = arith.constant 5 : index
    %get3A_25 = arith.constant 0 : index
    %get3A_26 = arith.constant 0 : index
    %get3A_27 = vector.load %arg2[%get3A_24, %get3A_25, %get3A_26] : memref<8x5x256xf32, #tpu.memory_space<vmem>>, vector<1x5x256xf32>
    %get3A_28 = vector.shape_cast %get3A_27 : vector<1x5x256xf32> to vector<5x256xf32>
    %get3A_29 = arith.constant 6 : index
    %get3A_30 = arith.constant 0 : index
    %get3A_31 = arith.constant 0 : index
    %get3A_32 = vector.load %arg2[%get3A_29, %get3A_30, %get3A_31] : memref<8x5x256xf32, #tpu.memory_space<vmem>>, vector<1x5x256xf32>
    %get3A_33 = vector.shape_cast %get3A_32 : vector<1x5x256xf32> to vector<5x256xf32>
    %get3A_34 = arith.constant 7 : index
    %get3A_35 = arith.constant 0 : index
    %get3A_36 = arith.constant 0 : index
    %get3A_37 = vector.load %arg2[%get3A_34, %get3A_35, %get3A_36] : memref<8x5x256xf32, #tpu.memory_space<vmem>>, vector<1x5x256xf32>
    %get3A_38 = vector.shape_cast %get3A_37 : vector<1x5x256xf32> to vector<5x256xf32>
    %concatenate3A = tpu.concatenate %get3A_3, %get3A_8, %get3A_13, %get3A_18, %get3A_23, %get3A_28, %get3A_33, %get3A_38 in 1 : vector<5x256xf32>, vector<5x256xf32>, vector<5x256xf32>, vector<5x256xf32>, vector<5x256xf32>, vector<5x256xf32>, vector<5x256xf32>, vector<5x256xf32> -> vector<5x2048xf32>
    %iota3A = tpu.iota {dimensions = array<i32: 0>} : vector<256x512xi32>
    %iota3A_39 = tpu.iota {dimensions = array<i32: 1>} : vector<512x256xi32>
    %iota3A_40 = tpu.iota {dimensions = array<i32: 0>} : vector<256x256xi32>
    %iota3A_41 = tpu.iota {dimensions = array<i32: 1>} : vector<256x256xi32>
    %eq3A = arith.cmpi eq, %iota3A_40, %iota3A_41 : vector<256x256xi32>
    %jit3A = arith.constant 1.000000e+00 : f32
    %jit3A_42 = arith.constant 0.000000e+00 : f32
    %broadcast_in_dim3A = vector.broadcast %jit3A : f32 to vector<256x256xf32>
    %broadcast_in_dim3A_43 = vector.broadcast %jit3A_42 : f32 to vector<256x256xf32>
    %select_n3A = arith.select %eq3A, %broadcast_in_dim3A, %broadcast_in_dim3A_43 : vector<256x256xi1>, vector<256x256xf32>
    %get3A_44 = arith.constant 0 : index
    %get3A_45 = arith.constant 0 : index
    %get3A_46 = arith.constant 0 : index
    %get3A_47 = vector.load %arg3[%get3A_44, %get3A_45, %get3A_46] : memref<8x1x512xi32, #tpu.memory_space<vmem>>, vector<1x1x512xi32>
    %get3A_48 = vector.shape_cast %get3A_47 : vector<1x1x512xi32> to vector<1x512xi32>
    %get3A_49 = arith.constant 0 : index
    %get3A_50 = arith.constant 0 : index
    %get3A_51 = arith.constant 0 : index
    %get3A_52 = vector.load %arg4[%get3A_49, %get3A_50, %get3A_51] : memref<8x1x512xi32, #tpu.memory_space<vmem>>, vector<1x1x512xi32>
    %get3A_53 = vector.shape_cast %get3A_52 : vector<1x1x512xi32> to vector<1x512xi32>
    %get3A_54 = arith.constant 0 : index
    %get3A_55 = arith.constant 0 : index
    %get3A_56 = arith.constant 0 : index
    %get3A_57 = vector.load %arg5[%get3A_54, %get3A_55, %get3A_56] : memref<8x512x1xi32, #tpu.memory_space<vmem>>, vector<1x512x1xi32>
    %get3A_58 = vector.shape_cast %get3A_57 : vector<1x512x1xi32> to vector<512x1xi32>
    %get3A_59 = arith.constant 0 : index
    %get3A_60 = arith.constant 0 : index
    %get3A_61 = arith.constant 0 : index
    %get3A_62 = vector.load %arg6[%get3A_59, %get3A_60, %get3A_61] : memref<8x512x1xi32, #tpu.memory_space<vmem>>, vector<1x512x1xi32>
    %get3A_63 = vector.shape_cast %get3A_62 : vector<1x512x1xi32> to vector<512x1xi32>
    %eq3A_64 = vector.broadcast %get3A_48 : vector<1x512xi32> to vector<256x512xi32>
    %eq3A_65 = arith.cmpi eq, %iota3A, %eq3A_64 : vector<256x512xi32>
    %ne3A = arith.cmpi ne, %get3A_48, %get3A_53 : vector<1x512xi32>
    %and3A = vector.broadcast %ne3A : vector<1x512xi1> to vector<256x512xi1>
    %and3A_66 = arith.andi %eq3A_65, %and3A : vector<256x512xi1>
    %jit3A_67 = arith.constant 1.000000e+00 : f32
    %jit3A_68 = arith.constant 0.000000e+00 : f32
    %broadcast_in_dim3A_69 = vector.broadcast %jit3A_67 : f32 to vector<256x512xf32>
    %broadcast_in_dim3A_70 = vector.broadcast %jit3A_68 : f32 to vector<256x512xf32>
    %select_n3A_71 = arith.select %and3A_66, %broadcast_in_dim3A_69, %broadcast_in_dim3A_70 : vector<256x512xi1>, vector<256x512xf32>
    %eq3A_72 = vector.broadcast %get3A_63 : vector<512x1xi32> to vector<512x256xi32>
    %eq3A_73 = arith.cmpi eq, %iota3A_39, %eq3A_72 : vector<512x256xi32>
    %ne3A_74 = arith.cmpi ne, %get3A_58, %get3A_63 : vector<512x1xi32>
    %and3A_75 = vector.broadcast %ne3A_74 : vector<512x1xi1> to vector<512x256xi1>
    %and3A_76 = arith.andi %eq3A_73, %and3A_75 : vector<512x256xi1>
    %jit3A_77 = arith.constant 1.000000e+00 : f32
    %jit3A_78 = arith.constant 0.000000e+00 : f32
    %broadcast_in_dim3A_79 = vector.broadcast %jit3A_77 : f32 to vector<512x256xf32>
    %broadcast_in_dim3A_80 = vector.broadcast %jit3A_78 : f32 to vector<512x256xf32>
    %select_n3A_81 = arith.select %and3A_76, %broadcast_in_dim3A_79, %broadcast_in_dim3A_80 : vector<512x256xi1>, vector<512x256xf32>
    %get3A_82 = arith.constant 0 : index
    %get3A_83 = arith.constant 0 : index
    %get3A_84 = vector.load %arg1[%get3A_82, %get3A_83] : memref<32x16xf32, #tpu.memory_space<vmem>>, vector<32x16xf32>
    %reduce_sum3A = arith.constant dense<0.000000e+00> : vector<32xf32>
    %reduce_sum3A_85 = vector.multi_reduction <add>, %get3A_84, %reduce_sum3A [1] : vector<32x16xf32> to vector<32xf32>
    %broadcast_in_dim3A_86 = vector.shape_cast %reduce_sum3A_85 : vector<32xf32> to vector<32x1xf32>
    %reduce_sum3A_87 = arith.constant dense<0.000000e+00> : vector<1xf32>
    %reduce_sum3A_88 = vector.multi_reduction <add>, %broadcast_in_dim3A_86, %reduce_sum3A_87 [0] : vector<32x1xf32> to vector<1xf32>
    %broadcast_in_dim3A_89 = vector.shape_cast %reduce_sum3A_88 : vector<1xf32> to vector<1x1xf32>
    %eq3A_90 = arith.constant 0 : i32
    %eq3A_91 = arith.cmpi eq, %arg0, %eq3A_90 : i32
    %and3A_92 = arith.constant true
    %and3A_93 = arith.andi %eq3A_91, %and3A_92 : i1
    %jit3A_94 = arith.constant 0.000000e+00 : f32
    %broadcast_in_dim3A_95 = vector.broadcast %jit3A_94 : f32 to vector<1x1xf32>
    %select_n3A_96 = arith.select %and3A_93, %broadcast_in_dim3A_89, %broadcast_in_dim3A_95 : vector<1x1xf32>
    %eq3A_97 = arith.constant 0 : i32
    %eq3A_98 = vector.broadcast %eq3A_97 : i32 to vector<256x256xi32>
    %eq3A_99 = arith.cmpi eq, %iota3A_40, %eq3A_98 : vector<256x256xi32>
    %eq3A_100 = arith.constant 0 : i32
    %eq3A_101 = vector.broadcast %eq3A_100 : i32 to vector<256x256xi32>
    %eq3A_102 = arith.cmpi eq, %iota3A_41, %eq3A_101 : vector<256x256xi32>
    %and3A_103 = arith.andi %eq3A_99, %eq3A_102 : vector<256x256xi1>
    %jit3A_104 = arith.constant 0.000000e+00 : f32
    %broadcast_in_dim3A_105 = vector.shape_cast %select_n3A_96 : vector<1x1xf32> to vector<1x1xf32>
    %broadcast_in_dim3A_106 = vector.broadcast %broadcast_in_dim3A_105 : vector<1x1xf32> to vector<256x256xf32>
    %broadcast_in_dim3A_107 = vector.broadcast %jit3A_104 : f32 to vector<256x256xf32>
    %select_n3A_108 = arith.select %and3A_103, %broadcast_in_dim3A_106, %broadcast_in_dim3A_107 : vector<256x256xi1>, vector<256x256xf32>
    %add3A = arith.addf %select_n3A, %select_n3A_108 : vector<256x256xf32>
    %concatenate3A_109 = tpu.concatenate %select_n3A_71, %select_n3A in 1 : vector<256x512xf32>, vector<256x256xf32> -> vector<256x768xf32>
    %concatenate3A_110 = tpu.concatenate %select_n3A_81, %add3A in 0 : vector<512x256xf32>, vector<256x256xf32> -> vector<768x256xf32>
    %get3A_111 = arith.constant 1 : index
    %get3A_112 = arith.constant 0 : index
    %get3A_113 = arith.constant 0 : index
    %get3A_114 = vector.load %arg3[%get3A_111, %get3A_112, %get3A_113] : memref<8x1x512xi32, #tpu.memory_space<vmem>>, vector<1x1x512xi32>
    %get3A_115 = vector.shape_cast %get3A_114 : vector<1x1x512xi32> to vector<1x512xi32>
    %get3A_116 = arith.constant 1 : index
    %get3A_117 = arith.constant 0 : index
    %get3A_118 = arith.constant 0 : index
    %get3A_119 = vector.load %arg4[%get3A_116, %get3A_117, %get3A_118] : memref<8x1x512xi32, #tpu.memory_space<vmem>>, vector<1x1x512xi32>
    %get3A_120 = vector.shape_cast %get3A_119 : vector<1x1x512xi32> to vector<1x512xi32>
    %get3A_121 = arith.constant 1 : index
    %get3A_122 = arith.constant 0 : index
    %get3A_123 = arith.constant 0 : index
    %get3A_124 = vector.load %arg5[%get3A_121, %get3A_122, %get3A_123] : memref<8x512x1xi32, #tpu.memory_space<vmem>>, vector<1x512x1xi32>
    %get3A_125 = vector.shape_cast %get3A_124 : vector<1x512x1xi32> to vector<512x1xi32>
    %get3A_126 = arith.constant 1 : index
    %get3A_127 = arith.constant 0 : index
    %get3A_128 = arith.constant 0 : index
    %get3A_129 = vector.load %arg6[%get3A_126, %get3A_127, %get3A_128] : memref<8x512x1xi32, #tpu.memory_space<vmem>>, vector<1x512x1xi32>
    %get3A_130 = vector.shape_cast %get3A_129 : vector<1x512x1xi32> to vector<512x1xi32>
    %eq3A_131 = vector.broadcast %get3A_115 : vector<1x512xi32> to vector<256x512xi32>
    %eq3A_132 = arith.cmpi eq, %iota3A, %eq3A_131 : vector<256x512xi32>
    %ne3A_133 = arith.cmpi ne, %get3A_115, %get3A_120 : vector<1x512xi32>
    %and3A_134 = vector.broadcast %ne3A_133 : vector<1x512xi1> to vector<256x512xi1>
    %and3A_135 = arith.andi %eq3A_132, %and3A_134 : vector<256x512xi1>
    %jit3A_136 = arith.constant 1.000000e+00 : f32
    %jit3A_137 = arith.constant 0.000000e+00 : f32
    %broadcast_in_dim3A_138 = vector.broadcast %jit3A_136 : f32 to vector<256x512xf32>
    %broadcast_in_dim3A_139 = vector.broadcast %jit3A_137 : f32 to vector<256x512xf32>
    %select_n3A_140 = arith.select %and3A_135, %broadcast_in_dim3A_138, %broadcast_in_dim3A_139 : vector<256x512xi1>, vector<256x512xf32>
    %eq3A_141 = vector.broadcast %get3A_130 : vector<512x1xi32> to vector<512x256xi32>
    %eq3A_142 = arith.cmpi eq, %iota3A_39, %eq3A_141 : vector<512x256xi32>
    %ne3A_143 = arith.cmpi ne, %get3A_125, %get3A_130 : vector<512x1xi32>
    %and3A_144 = vector.broadcast %ne3A_143 : vector<512x1xi1> to vector<512x256xi1>
    %and3A_145 = arith.andi %eq3A_142, %and3A_144 : vector<512x256xi1>
    %jit3A_146 = arith.constant 1.000000e+00 : f32
    %jit3A_147 = arith.constant 0.000000e+00 : f32
    %broadcast_in_dim3A_148 = vector.broadcast %jit3A_146 : f32 to vector<512x256xf32>
    %broadcast_in_dim3A_149 = vector.broadcast %jit3A_147 : f32 to vector<512x256xf32>
    %select_n3A_150 = arith.select %and3A_145, %broadcast_in_dim3A_148, %broadcast_in_dim3A_149 : vector<512x256xi1>, vector<512x256xf32>
    %get3A_151 = arith.constant 0 : index
    %get3A_152 = arith.constant 0 : index
    %get3A_153 = vector.load %arg1[%get3A_151, %get3A_152] : memref<32x16xf32, #tpu.memory_space<vmem>>, vector<32x16xf32>
    %reduce_sum3A_154 = arith.constant dense<0.000000e+00> : vector<32xf32>
    %reduce_sum3A_155 = vector.multi_reduction <add>, %get3A_153, %reduce_sum3A_154 [1] : vector<32x16xf32> to vector<32xf32>
    %broadcast_in_dim3A_156 = vector.shape_cast %reduce_sum3A_155 : vector<32xf32> to vector<32x1xf32>
    %reduce_sum3A_157 = arith.constant dense<0.000000e+00> : vector<1xf32>
    %reduce_sum3A_158 = vector.multi_reduction <add>, %broadcast_in_dim3A_156, %reduce_sum3A_157 [0] : vector<32x1xf32> to vector<1xf32>
    %broadcast_in_dim3A_159 = vector.shape_cast %reduce_sum3A_158 : vector<1xf32> to vector<1x1xf32>
    %eq3A_160 = arith.constant 0 : i32
    %eq3A_161 = arith.cmpi eq, %arg0, %eq3A_160 : i32
    %and3A_162 = arith.constant false
    %and3A_163 = arith.andi %eq3A_161, %and3A_162 : i1
    %jit3A_164 = arith.constant 0.000000e+00 : f32
    %broadcast_in_dim3A_165 = vector.broadcast %jit3A_164 : f32 to vector<1x1xf32>
    %select_n3A_166 = arith.select %and3A_163, %broadcast_in_dim3A_159, %broadcast_in_dim3A_165 : vector<1x1xf32>
    %eq3A_167 = arith.constant 0 : i32
    %eq3A_168 = vector.broadcast %eq3A_167 : i32 to vector<256x256xi32>
    %eq3A_169 = arith.cmpi eq, %iota3A_40, %eq3A_168 : vector<256x256xi32>
    %eq3A_170 = arith.constant 0 : i32
    %eq3A_171 = vector.broadcast %eq3A_170 : i32 to vector<256x256xi32>
    %eq3A_172 = arith.cmpi eq, %iota3A_41, %eq3A_171 : vector<256x256xi32>
    %and3A_173 = arith.andi %eq3A_169, %eq3A_172 : vector<256x256xi1>
    %jit3A_174 = arith.constant 0.000000e+00 : f32
    %broadcast_in_dim3A_175 = vector.shape_cast %select_n3A_166 : vector<1x1xf32> to vector<1x1xf32>
    %broadcast_in_dim3A_176 = vector.broadcast %broadcast_in_dim3A_175 : vector<1x1xf32> to vector<256x256xf32>
    %broadcast_in_dim3A_177 = vector.broadcast %jit3A_174 : f32 to vector<256x256xf32>
    %select_n3A_178 = arith.select %and3A_173, %broadcast_in_dim3A_176, %broadcast_in_dim3A_177 : vector<256x256xi1>, vector<256x256xf32>
    %add3A_179 = arith.addf %select_n3A, %select_n3A_178 : vector<256x256xf32>
    %concatenate3A_180 = tpu.concatenate %select_n3A_140, %select_n3A in 1 : vector<256x512xf32>, vector<256x256xf32> -> vector<256x768xf32>
    %concatenate3A_181 = tpu.concatenate %select_n3A_150, %add3A_179 in 0 : vector<512x256xf32>, vector<256x256xf32> -> vector<768x256xf32>
    %get3A_182 = arith.constant 2 : index
    %get3A_183 = arith.constant 0 : index
    %get3A_184 = arith.constant 0 : index
    %get3A_185 = vector.load %arg3[%get3A_182, %get3A_183, %get3A_184] : memref<8x1x512xi32, #tpu.memory_space<vmem>>, vector<1x1x512xi32>
    %get3A_186 = vector.shape_cast %get3A_185 : vector<1x1x512xi32> to vector<1x512xi32>
    %get3A_187 = arith.constant 2 : index
    %get3A_188 = arith.constant 0 : index
    %get3A_189 = arith.constant 0 : index
    %get3A_190 = vector.load %arg4[%get3A_187, %get3A_188, %get3A_189] : memref<8x1x512xi32, #tpu.memory_space<vmem>>, vector<1x1x512xi32>
    %get3A_191 = vector.shape_cast %get3A_190 : vector<1x1x512xi32> to vector<1x512xi32>
    %get3A_192 = arith.constant 2 : index
    %get3A_193 = arith.constant 0 : index
    %get3A_194 = arith.constant 0 : index
    %get3A_195 = vector.load %arg5[%get3A_192, %get3A_193, %get3A_194] : memref<8x512x1xi32, #tpu.memory_space<vmem>>, vector<1x512x1xi32>
    %get3A_196 = vector.shape_cast %get3A_195 : vector<1x512x1xi32> to vector<512x1xi32>
    %get3A_197 = arith.constant 2 : index
    %get3A_198 = arith.constant 0 : index
    %get3A_199 = arith.constant 0 : index
    %get3A_200 = vector.load %arg6[%get3A_197, %get3A_198, %get3A_199] : memref<8x512x1xi32, #tpu.memory_space<vmem>>, vector<1x512x1xi32>
    %get3A_201 = vector.shape_cast %get3A_200 : vector<1x512x1xi32> to vector<512x1xi32>
    %eq3A_202 = vector.broadcast %get3A_186 : vector<1x512xi32> to vector<256x512xi32>
    %eq3A_203 = arith.cmpi eq, %iota3A, %eq3A_202 : vector<256x512xi32>
    %ne3A_204 = arith.cmpi ne, %get3A_186, %get3A_191 : vector<1x512xi32>
    %and3A_205 = vector.broadcast %ne3A_204 : vector<1x512xi1> to vector<256x512xi1>
    %and3A_206 = arith.andi %eq3A_203, %and3A_205 : vector<256x512xi1>
    %jit3A_207 = arith.constant 1.000000e+00 : f32
    %jit3A_208 = arith.constant 0.000000e+00 : f32
    %broadcast_in_dim3A_209 = vector.broadcast %jit3A_207 : f32 to vector<256x512xf32>
    %broadcast_in_dim3A_210 = vector.broadcast %jit3A_208 : f32 to vector<256x512xf32>
    %select_n3A_211 = arith.select %and3A_206, %broadcast_in_dim3A_209, %broadcast_in_dim3A_210 : vector<256x512xi1>, vector<256x512xf32>
    %eq3A_212 = vector.broadcast %get3A_201 : vector<512x1xi32> to vector<512x256xi32>
    %eq3A_213 = arith.cmpi eq, %iota3A_39, %eq3A_212 : vector<512x256xi32>
    %ne3A_214 = arith.cmpi ne, %get3A_196, %get3A_201 : vector<512x1xi32>
    %and3A_215 = vector.broadcast %ne3A_214 : vector<512x1xi1> to vector<512x256xi1>
    %and3A_216 = arith.andi %eq3A_213, %and3A_215 : vector<512x256xi1>
    %jit3A_217 = arith.constant 1.000000e+00 : f32
    %jit3A_218 = arith.constant 0.000000e+00 : f32
    %broadcast_in_dim3A_219 = vector.broadcast %jit3A_217 : f32 to vector<512x256xf32>
    %broadcast_in_dim3A_220 = vector.broadcast %jit3A_218 : f32 to vector<512x256xf32>
    %select_n3A_221 = arith.select %and3A_216, %broadcast_in_dim3A_219, %broadcast_in_dim3A_220 : vector<512x256xi1>, vector<512x256xf32>
    %get3A_222 = arith.constant 0 : index
    %get3A_223 = arith.constant 0 : index
    %get3A_224 = vector.load %arg1[%get3A_222, %get3A_223] : memref<32x16xf32, #tpu.memory_space<vmem>>, vector<32x16xf32>
    %reduce_sum3A_225 = arith.constant dense<0.000000e+00> : vector<32xf32>
    %reduce_sum3A_226 = vector.multi_reduction <add>, %get3A_224, %reduce_sum3A_225 [1] : vector<32x16xf32> to vector<32xf32>
    %broadcast_in_dim3A_227 = vector.shape_cast %reduce_sum3A_226 : vector<32xf32> to vector<32x1xf32>
    %reduce_sum3A_228 = arith.constant dense<0.000000e+00> : vector<1xf32>
    %reduce_sum3A_229 = vector.multi_reduction <add>, %broadcast_in_dim3A_227, %reduce_sum3A_228 [0] : vector<32x1xf32> to vector<1xf32>
    %broadcast_in_dim3A_230 = vector.shape_cast %reduce_sum3A_229 : vector<1xf32> to vector<1x1xf32>
    %eq3A_231 = arith.constant 0 : i32
    %eq3A_232 = arith.cmpi eq, %arg0, %eq3A_231 : i32
    %and3A_233 = arith.constant false
    %and3A_234 = arith.andi %eq3A_232, %and3A_233 : i1
    %jit3A_235 = arith.constant 0.000000e+00 : f32
    %broadcast_in_dim3A_236 = vector.broadcast %jit3A_235 : f32 to vector<1x1xf32>
    %select_n3A_237 = arith.select %and3A_234, %broadcast_in_dim3A_230, %broadcast_in_dim3A_236 : vector<1x1xf32>
    %eq3A_238 = arith.constant 0 : i32
    %eq3A_239 = vector.broadcast %eq3A_238 : i32 to vector<256x256xi32>
    %eq3A_240 = arith.cmpi eq, %iota3A_40, %eq3A_239 : vector<256x256xi32>
    %eq3A_241 = arith.constant 0 : i32
    %eq3A_242 = vector.broadcast %eq3A_241 : i32 to vector<256x256xi32>
    %eq3A_243 = arith.cmpi eq, %iota3A_41, %eq3A_242 : vector<256x256xi32>
    %and3A_244 = arith.andi %eq3A_240, %eq3A_243 : vector<256x256xi1>
    %jit3A_245 = arith.constant 0.000000e+00 : f32
    %broadcast_in_dim3A_246 = vector.shape_cast %select_n3A_237 : vector<1x1xf32> to vector<1x1xf32>
    %broadcast_in_dim3A_247 = vector.broadcast %broadcast_in_dim3A_246 : vector<1x1xf32> to vector<256x256xf32>
    %broadcast_in_dim3A_248 = vector.broadcast %jit3A_245 : f32 to vector<256x256xf32>
    %select_n3A_249 = arith.select %and3A_244, %broadcast_in_dim3A_247, %broadcast_in_dim3A_248 : vector<256x256xi1>, vector<256x256xf32>
    %add3A_250 = arith.addf %select_n3A, %select_n3A_249 : vector<256x256xf32>
    %concatenate3A_251 = tpu.concatenate %select_n3A_211, %select_n3A in 1 : vector<256x512xf32>, vector<256x256xf32> -> vector<256x768xf32>
    %concatenate3A_252 = tpu.concatenate %select_n3A_221, %add3A_250 in 0 : vector<512x256xf32>, vector<256x256xf32> -> vector<768x256xf32>
    %get3A_253 = arith.constant 3 : index
    %get3A_254 = arith.constant 0 : index
    %get3A_255 = arith.constant 0 : index
    %get3A_256 = vector.load %arg3[%get3A_253, %get3A_254, %get3A_255] : memref<8x1x512xi32, #tpu.memory_space<vmem>>, vector<1x1x512xi32>
    %get3A_257 = vector.shape_cast %get3A_256 : vector<1x1x512xi32> to vector<1x512xi32>
    %get3A_258 = arith.constant 3 : index
    %get3A_259 = arith.constant 0 : index
    %get3A_260 = arith.constant 0 : index
    %get3A_261 = vector.load %arg4[%get3A_258, %get3A_259, %get3A_260] : memref<8x1x512xi32, #tpu.memory_space<vmem>>, vector<1x1x512xi32>
    %get3A_262 = vector.shape_cast %get3A_261 : vector<1x1x512xi32> to vector<1x512xi32>
    %get3A_263 = arith.constant 3 : index
    %get3A_264 = arith.constant 0 : index
    %get3A_265 = arith.constant 0 : index
    %get3A_266 = vector.load %arg5[%get3A_263, %get3A_264, %get3A_265] : memref<8x512x1xi32, #tpu.memory_space<vmem>>, vector<1x512x1xi32>
    %get3A_267 = vector.shape_cast %get3A_266 : vector<1x512x1xi32> to vector<512x1xi32>
    %get3A_268 = arith.constant 3 : index
    %get3A_269 = arith.constant 0 : index
    %get3A_270 = arith.constant 0 : index
    %get3A_271 = vector.load %arg6[%get3A_268, %get3A_269, %get3A_270] : memref<8x512x1xi32, #tpu.memory_space<vmem>>, vector<1x512x1xi32>
    %get3A_272 = vector.shape_cast %get3A_271 : vector<1x512x1xi32> to vector<512x1xi32>
    %eq3A_273 = vector.broadcast %get3A_257 : vector<1x512xi32> to vector<256x512xi32>
    %eq3A_274 = arith.cmpi eq, %iota3A, %eq3A_273 : vector<256x512xi32>
    %ne3A_275 = arith.cmpi ne, %get3A_257, %get3A_262 : vector<1x512xi32>
    %and3A_276 = vector.broadcast %ne3A_275 : vector<1x512xi1> to vector<256x512xi1>
    %and3A_277 = arith.andi %eq3A_274, %and3A_276 : vector<256x512xi1>
    %jit3A_278 = arith.constant 1.000000e+00 : f32
    %jit3A_279 = arith.constant 0.000000e+00 : f32
    %broadcast_in_dim3A_280 = vector.broadcast %jit3A_278 : f32 to vector<256x512xf32>
    %broadcast_in_dim3A_281 = vector.broadcast %jit3A_279 : f32 to vector<256x512xf32>
    %select_n3A_282 = arith.select %and3A_277, %broadcast_in_dim3A_280, %broadcast_in_dim3A_281 : vector<256x512xi1>, vector<256x512xf32>
    %eq3A_283 = vector.broadcast %get3A_272 : vector<512x1xi32> to vector<512x256xi32>
    %eq3A_284 = arith.cmpi eq, %iota3A_39, %eq3A_283 : vector<512x256xi32>
    %ne3A_285 = arith.cmpi ne, %get3A_267, %get3A_272 : vector<512x1xi32>
    %and3A_286 = vector.broadcast %ne3A_285 : vector<512x1xi1> to vector<512x256xi1>
    %and3A_287 = arith.andi %eq3A_284, %and3A_286 : vector<512x256xi1>
    %jit3A_288 = arith.constant 1.000000e+00 : f32
    %jit3A_289 = arith.constant 0.000000e+00 : f32
    %broadcast_in_dim3A_290 = vector.broadcast %jit3A_288 : f32 to vector<512x256xf32>
    %broadcast_in_dim3A_291 = vector.broadcast %jit3A_289 : f32 to vector<512x256xf32>
    %select_n3A_292 = arith.select %and3A_287, %broadcast_in_dim3A_290, %broadcast_in_dim3A_291 : vector<512x256xi1>, vector<512x256xf32>
    %get3A_293 = arith.constant 0 : index
    %get3A_294 = arith.constant 0 : index
    %get3A_295 = vector.load %arg1[%get3A_293, %get3A_294] : memref<32x16xf32, #tpu.memory_space<vmem>>, vector<32x16xf32>
    %reduce_sum3A_296 = arith.constant dense<0.000000e+00> : vector<32xf32>
    %reduce_sum3A_297 = vector.multi_reduction <add>, %get3A_295, %reduce_sum3A_296 [1] : vector<32x16xf32> to vector<32xf32>
    %broadcast_in_dim3A_298 = vector.shape_cast %reduce_sum3A_297 : vector<32xf32> to vector<32x1xf32>
    %reduce_sum3A_299 = arith.constant dense<0.000000e+00> : vector<1xf32>
    %reduce_sum3A_300 = vector.multi_reduction <add>, %broadcast_in_dim3A_298, %reduce_sum3A_299 [0] : vector<32x1xf32> to vector<1xf32>
    %broadcast_in_dim3A_301 = vector.shape_cast %reduce_sum3A_300 : vector<1xf32> to vector<1x1xf32>
    %eq3A_302 = arith.constant 0 : i32
    %eq3A_303 = arith.cmpi eq, %arg0, %eq3A_302 : i32
    %and3A_304 = arith.constant false
    %and3A_305 = arith.andi %eq3A_303, %and3A_304 : i1
    %jit3A_306 = arith.constant 0.000000e+00 : f32
    %broadcast_in_dim3A_307 = vector.broadcast %jit3A_306 : f32 to vector<1x1xf32>
    %select_n3A_308 = arith.select %and3A_305, %broadcast_in_dim3A_301, %broadcast_in_dim3A_307 : vector<1x1xf32>
    %eq3A_309 = arith.constant 0 : i32
    %eq3A_310 = vector.broadcast %eq3A_309 : i32 to vector<256x256xi32>
    %eq3A_311 = arith.cmpi eq, %iota3A_40, %eq3A_310 : vector<256x256xi32>
    %eq3A_312 = arith.constant 0 : i32
    %eq3A_313 = vector.broadcast %eq3A_312 : i32 to vector<256x256xi32>
    %eq3A_314 = arith.cmpi eq, %iota3A_41, %eq3A_313 : vector<256x256xi32>
    %and3A_315 = arith.andi %eq3A_311, %eq3A_314 : vector<256x256xi1>
    %jit3A_316 = arith.constant 0.000000e+00 : f32
    %broadcast_in_dim3A_317 = vector.shape_cast %select_n3A_308 : vector<1x1xf32> to vector<1x1xf32>
    %broadcast_in_dim3A_318 = vector.broadcast %broadcast_in_dim3A_317 : vector<1x1xf32> to vector<256x256xf32>
    %broadcast_in_dim3A_319 = vector.broadcast %jit3A_316 : f32 to vector<256x256xf32>
    %select_n3A_320 = arith.select %and3A_315, %broadcast_in_dim3A_318, %broadcast_in_dim3A_319 : vector<256x256xi1>, vector<256x256xf32>
    %add3A_321 = arith.addf %select_n3A, %select_n3A_320 : vector<256x256xf32>
    %concatenate3A_322 = tpu.concatenate %select_n3A_282, %select_n3A in 1 : vector<256x512xf32>, vector<256x256xf32> -> vector<256x768xf32>
    %concatenate3A_323 = tpu.concatenate %select_n3A_292, %add3A_321 in 0 : vector<512x256xf32>, vector<256x256xf32> -> vector<768x256xf32>
    %get3A_324 = arith.constant 4 : index
    %get3A_325 = arith.constant 0 : index
    %get3A_326 = arith.constant 0 : index
    %get3A_327 = vector.load %arg3[%get3A_324, %get3A_325, %get3A_326] : memref<8x1x512xi32, #tpu.memory_space<vmem>>, vector<1x1x512xi32>
    %get3A_328 = vector.shape_cast %get3A_327 : vector<1x1x512xi32> to vector<1x512xi32>
    %get3A_329 = arith.constant 4 : index
    %get3A_330 = arith.constant 0 : index
    %get3A_331 = arith.constant 0 : index
    %get3A_332 = vector.load %arg4[%get3A_329, %get3A_330, %get3A_331] : memref<8x1x512xi32, #tpu.memory_space<vmem>>, vector<1x1x512xi32>
    %get3A_333 = vector.shape_cast %get3A_332 : vector<1x1x512xi32> to vector<1x512xi32>
    %get3A_334 = arith.constant 4 : index
    %get3A_335 = arith.constant 0 : index
    %get3A_336 = arith.constant 0 : index
    %get3A_337 = vector.load %arg5[%get3A_334, %get3A_335, %get3A_336] : memref<8x512x1xi32, #tpu.memory_space<vmem>>, vector<1x512x1xi32>
    %get3A_338 = vector.shape_cast %get3A_337 : vector<1x512x1xi32> to vector<512x1xi32>
    %get3A_339 = arith.constant 4 : index
    %get3A_340 = arith.constant 0 : index
    %get3A_341 = arith.constant 0 : index
    %get3A_342 = vector.load %arg6[%get3A_339, %get3A_340, %get3A_341] : memref<8x512x1xi32, #tpu.memory_space<vmem>>, vector<1x512x1xi32>
    %get3A_343 = vector.shape_cast %get3A_342 : vector<1x512x1xi32> to vector<512x1xi32>
    %eq3A_344 = vector.broadcast %get3A_328 : vector<1x512xi32> to vector<256x512xi32>
    %eq3A_345 = arith.cmpi eq, %iota3A, %eq3A_344 : vector<256x512xi32>
    %ne3A_346 = arith.cmpi ne, %get3A_328, %get3A_333 : vector<1x512xi32>
    %and3A_347 = vector.broadcast %ne3A_346 : vector<1x512xi1> to vector<256x512xi1>
    %and3A_348 = arith.andi %eq3A_345, %and3A_347 : vector<256x512xi1>
    %jit3A_349 = arith.constant 1.000000e+00 : f32
    %jit3A_350 = arith.constant 0.000000e+00 : f32
    %broadcast_in_dim3A_351 = vector.broadcast %jit3A_349 : f32 to vector<256x512xf32>
    %broadcast_in_dim3A_352 = vector.broadcast %jit3A_350 : f32 to vector<256x512xf32>
    %select_n3A_353 = arith.select %and3A_348, %broadcast_in_dim3A_351, %broadcast_in_dim3A_352 : vector<256x512xi1>, vector<256x512xf32>
    %eq3A_354 = vector.broadcast %get3A_343 : vector<512x1xi32> to vector<512x256xi32>
    %eq3A_355 = arith.cmpi eq, %iota3A_39, %eq3A_354 : vector<512x256xi32>
    %ne3A_356 = arith.cmpi ne, %get3A_338, %get3A_343 : vector<512x1xi32>
    %and3A_357 = vector.broadcast %ne3A_356 : vector<512x1xi1> to vector<512x256xi1>
    %and3A_358 = arith.andi %eq3A_355, %and3A_357 : vector<512x256xi1>
    %jit3A_359 = arith.constant 1.000000e+00 : f32
    %jit3A_360 = arith.constant 0.000000e+00 : f32
    %broadcast_in_dim3A_361 = vector.broadcast %jit3A_359 : f32 to vector<512x256xf32>
    %broadcast_in_dim3A_362 = vector.broadcast %jit3A_360 : f32 to vector<512x256xf32>
    %select_n3A_363 = arith.select %and3A_358, %broadcast_in_dim3A_361, %broadcast_in_dim3A_362 : vector<512x256xi1>, vector<512x256xf32>
    %get3A_364 = arith.constant 0 : index
    %get3A_365 = arith.constant 0 : index
    %get3A_366 = vector.load %arg1[%get3A_364, %get3A_365] : memref<32x16xf32, #tpu.memory_space<vmem>>, vector<32x16xf32>
    %reduce_sum3A_367 = arith.constant dense<0.000000e+00> : vector<32xf32>
    %reduce_sum3A_368 = vector.multi_reduction <add>, %get3A_366, %reduce_sum3A_367 [1] : vector<32x16xf32> to vector<32xf32>
    %broadcast_in_dim3A_369 = vector.shape_cast %reduce_sum3A_368 : vector<32xf32> to vector<32x1xf32>
    %reduce_sum3A_370 = arith.constant dense<0.000000e+00> : vector<1xf32>
    %reduce_sum3A_371 = vector.multi_reduction <add>, %broadcast_in_dim3A_369, %reduce_sum3A_370 [0] : vector<32x1xf32> to vector<1xf32>
    %broadcast_in_dim3A_372 = vector.shape_cast %reduce_sum3A_371 : vector<1xf32> to vector<1x1xf32>
    %eq3A_373 = arith.constant 0 : i32
    %eq3A_374 = arith.cmpi eq, %arg0, %eq3A_373 : i32
    %and3A_375 = arith.constant false
    %and3A_376 = arith.andi %eq3A_374, %and3A_375 : i1
    %jit3A_377 = arith.constant 0.000000e+00 : f32
    %broadcast_in_dim3A_378 = vector.broadcast %jit3A_377 : f32 to vector<1x1xf32>
    %select_n3A_379 = arith.select %and3A_376, %broadcast_in_dim3A_372, %broadcast_in_dim3A_378 : vector<1x1xf32>
    %eq3A_380 = arith.constant 0 : i32
    %eq3A_381 = vector.broadcast %eq3A_380 : i32 to vector<256x256xi32>
    %eq3A_382 = arith.cmpi eq, %iota3A_40, %eq3A_381 : vector<256x256xi32>
    %eq3A_383 = arith.constant 0 : i32
    %eq3A_384 = vector.broadcast %eq3A_383 : i32 to vector<256x256xi32>
    %eq3A_385 = arith.cmpi eq, %iota3A_41, %eq3A_384 : vector<256x256xi32>
    %and3A_386 = arith.andi %eq3A_382, %eq3A_385 : vector<256x256xi1>
    %jit3A_387 = arith.constant 0.000000e+00 : f32
    %broadcast_in_dim3A_388 = vector.shape_cast %select_n3A_379 : vector<1x1xf32> to vector<1x1xf32>
    %broadcast_in_dim3A_389 = vector.broadcast %broadcast_in_dim3A_388 : vector<1x1xf32> to vector<256x256xf32>
    %broadcast_in_dim3A_390 = vector.broadcast %jit3A_387 : f32 to vector<256x256xf32>
    %select_n3A_391 = arith.select %and3A_386, %broadcast_in_dim3A_389, %broadcast_in_dim3A_390 : vector<256x256xi1>, vector<256x256xf32>
    %add3A_392 = arith.addf %select_n3A, %select_n3A_391 : vector<256x256xf32>
    %concatenate3A_393 = tpu.concatenate %select_n3A_353, %select_n3A in 1 : vector<256x512xf32>, vector<256x256xf32> -> vector<256x768xf32>
    %concatenate3A_394 = tpu.concatenate %select_n3A_363, %add3A_392 in 0 : vector<512x256xf32>, vector<256x256xf32> -> vector<768x256xf32>
    %get3A_395 = arith.constant 5 : index
    %get3A_396 = arith.constant 0 : index
    %get3A_397 = arith.constant 0 : index
    %get3A_398 = vector.load %arg3[%get3A_395, %get3A_396, %get3A_397] : memref<8x1x512xi32, #tpu.memory_space<vmem>>, vector<1x1x512xi32>
    %get3A_399 = vector.shape_cast %get3A_398 : vector<1x1x512xi32> to vector<1x512xi32>
    %get3A_400 = arith.constant 5 : index
    %get3A_401 = arith.constant 0 : index
    %get3A_402 = arith.constant 0 : index
    %get3A_403 = vector.load %arg4[%get3A_400, %get3A_401, %get3A_402] : memref<8x1x512xi32, #tpu.memory_space<vmem>>, vector<1x1x512xi32>
    %get3A_404 = vector.shape_cast %get3A_403 : vector<1x1x512xi32> to vector<1x512xi32>
    %get3A_405 = arith.constant 5 : index
    %get3A_406 = arith.constant 0 : index
    %get3A_407 = arith.constant 0 : index
    %get3A_408 = vector.load %arg5[%get3A_405, %get3A_406, %get3A_407] : memref<8x512x1xi32, #tpu.memory_space<vmem>>, vector<1x512x1xi32>
    %get3A_409 = vector.shape_cast %get3A_408 : vector<1x512x1xi32> to vector<512x1xi32>
    %get3A_410 = arith.constant 5 : index
    %get3A_411 = arith.constant 0 : index
    %get3A_412 = arith.constant 0 : index
    %get3A_413 = vector.load %arg6[%get3A_410, %get3A_411, %get3A_412] : memref<8x512x1xi32, #tpu.memory_space<vmem>>, vector<1x512x1xi32>
    %get3A_414 = vector.shape_cast %get3A_413 : vector<1x512x1xi32> to vector<512x1xi32>
    %eq3A_415 = vector.broadcast %get3A_399 : vector<1x512xi32> to vector<256x512xi32>
    %eq3A_416 = arith.cmpi eq, %iota3A, %eq3A_415 : vector<256x512xi32>
    %ne3A_417 = arith.cmpi ne, %get3A_399, %get3A_404 : vector<1x512xi32>
    %and3A_418 = vector.broadcast %ne3A_417 : vector<1x512xi1> to vector<256x512xi1>
    %and3A_419 = arith.andi %eq3A_416, %and3A_418 : vector<256x512xi1>
    %jit3A_420 = arith.constant 1.000000e+00 : f32
    %jit3A_421 = arith.constant 0.000000e+00 : f32
    %broadcast_in_dim3A_422 = vector.broadcast %jit3A_420 : f32 to vector<256x512xf32>
    %broadcast_in_dim3A_423 = vector.broadcast %jit3A_421 : f32 to vector<256x512xf32>
    %select_n3A_424 = arith.select %and3A_419, %broadcast_in_dim3A_422, %broadcast_in_dim3A_423 : vector<256x512xi1>, vector<256x512xf32>
    %eq3A_425 = vector.broadcast %get3A_414 : vector<512x1xi32> to vector<512x256xi32>
    %eq3A_426 = arith.cmpi eq, %iota3A_39, %eq3A_425 : vector<512x256xi32>
    %ne3A_427 = arith.cmpi ne, %get3A_409, %get3A_414 : vector<512x1xi32>
    %and3A_428 = vector.broadcast %ne3A_427 : vector<512x1xi1> to vector<512x256xi1>
    %and3A_429 = arith.andi %eq3A_426, %and3A_428 : vector<512x256xi1>
    %jit3A_430 = arith.constant 1.000000e+00 : f32
    %jit3A_431 = arith.constant 0.000000e+00 : f32
    %broadcast_in_dim3A_432 = vector.broadcast %jit3A_430 : f32 to vector<512x256xf32>
    %broadcast_in_dim3A_433 = vector.broadcast %jit3A_431 : f32 to vector<512x256xf32>
    %select_n3A_434 = arith.select %and3A_429, %broadcast_in_dim3A_432, %broadcast_in_dim3A_433 : vector<512x256xi1>, vector<512x256xf32>
    %get3A_435 = arith.constant 0 : index
    %get3A_436 = arith.constant 0 : index
    %get3A_437 = vector.load %arg1[%get3A_435, %get3A_436] : memref<32x16xf32, #tpu.memory_space<vmem>>, vector<32x16xf32>
    %reduce_sum3A_438 = arith.constant dense<0.000000e+00> : vector<32xf32>
    %reduce_sum3A_439 = vector.multi_reduction <add>, %get3A_437, %reduce_sum3A_438 [1] : vector<32x16xf32> to vector<32xf32>
    %broadcast_in_dim3A_440 = vector.shape_cast %reduce_sum3A_439 : vector<32xf32> to vector<32x1xf32>
    %reduce_sum3A_441 = arith.constant dense<0.000000e+00> : vector<1xf32>
    %reduce_sum3A_442 = vector.multi_reduction <add>, %broadcast_in_dim3A_440, %reduce_sum3A_441 [0] : vector<32x1xf32> to vector<1xf32>
    %broadcast_in_dim3A_443 = vector.shape_cast %reduce_sum3A_442 : vector<1xf32> to vector<1x1xf32>
    %eq3A_444 = arith.constant 0 : i32
    %eq3A_445 = arith.cmpi eq, %arg0, %eq3A_444 : i32
    %and3A_446 = arith.constant false
    %and3A_447 = arith.andi %eq3A_445, %and3A_446 : i1
    %jit3A_448 = arith.constant 0.000000e+00 : f32
    %broadcast_in_dim3A_449 = vector.broadcast %jit3A_448 : f32 to vector<1x1xf32>
    %select_n3A_450 = arith.select %and3A_447, %broadcast_in_dim3A_443, %broadcast_in_dim3A_449 : vector<1x1xf32>
    %eq3A_451 = arith.constant 0 : i32
    %eq3A_452 = vector.broadcast %eq3A_451 : i32 to vector<256x256xi32>
    %eq3A_453 = arith.cmpi eq, %iota3A_40, %eq3A_452 : vector<256x256xi32>
    %eq3A_454 = arith.constant 0 : i32
    %eq3A_455 = vector.broadcast %eq3A_454 : i32 to vector<256x256xi32>
    %eq3A_456 = arith.cmpi eq, %iota3A_41, %eq3A_455 : vector<256x256xi32>
    %and3A_457 = arith.andi %eq3A_453, %eq3A_456 : vector<256x256xi1>
    %jit3A_458 = arith.constant 0.000000e+00 : f32
    %broadcast_in_dim3A_459 = vector.shape_cast %select_n3A_450 : vector<1x1xf32> to vector<1x1xf32>
    %broadcast_in_dim3A_460 = vector.broadcast %broadcast_in_dim3A_459 : vector<1x1xf32> to vector<256x256xf32>
    %broadcast_in_dim3A_461 = vector.broadcast %jit3A_458 : f32 to vector<256x256xf32>
    %select_n3A_462 = arith.select %and3A_457, %broadcast_in_dim3A_460, %broadcast_in_dim3A_461 : vector<256x256xi1>, vector<256x256xf32>
    %add3A_463 = arith.addf %select_n3A, %select_n3A_462 : vector<256x256xf32>
    %concatenate3A_464 = tpu.concatenate %select_n3A_424, %select_n3A in 1 : vector<256x512xf32>, vector<256x256xf32> -> vector<256x768xf32>
    %concatenate3A_465 = tpu.concatenate %select_n3A_434, %add3A_463 in 0 : vector<512x256xf32>, vector<256x256xf32> -> vector<768x256xf32>
    %get3A_466 = arith.constant 6 : index
    %get3A_467 = arith.constant 0 : index
    %get3A_468 = arith.constant 0 : index
    %get3A_469 = vector.load %arg3[%get3A_466, %get3A_467, %get3A_468] : memref<8x1x512xi32, #tpu.memory_space<vmem>>, vector<1x1x512xi32>
    %get3A_470 = vector.shape_cast %get3A_469 : vector<1x1x512xi32> to vector<1x512xi32>
    %get3A_471 = arith.constant 6 : index
    %get3A_472 = arith.constant 0 : index
    %get3A_473 = arith.constant 0 : index
    %get3A_474 = vector.load %arg4[%get3A_471, %get3A_472, %get3A_473] : memref<8x1x512xi32, #tpu.memory_space<vmem>>, vector<1x1x512xi32>
    %get3A_475 = vector.shape_cast %get3A_474 : vector<1x1x512xi32> to vector<1x512xi32>
    %get3A_476 = arith.constant 6 : index
    %get3A_477 = arith.constant 0 : index
    %get3A_478 = arith.constant 0 : index
    %get3A_479 = vector.load %arg5[%get3A_476, %get3A_477, %get3A_478] : memref<8x512x1xi32, #tpu.memory_space<vmem>>, vector<1x512x1xi32>
    %get3A_480 = vector.shape_cast %get3A_479 : vector<1x512x1xi32> to vector<512x1xi32>
    %get3A_481 = arith.constant 6 : index
    %get3A_482 = arith.constant 0 : index
    %get3A_483 = arith.constant 0 : index
    %get3A_484 = vector.load %arg6[%get3A_481, %get3A_482, %get3A_483] : memref<8x512x1xi32, #tpu.memory_space<vmem>>, vector<1x512x1xi32>
    %get3A_485 = vector.shape_cast %get3A_484 : vector<1x512x1xi32> to vector<512x1xi32>
    %eq3A_486 = vector.broadcast %get3A_470 : vector<1x512xi32> to vector<256x512xi32>
    %eq3A_487 = arith.cmpi eq, %iota3A, %eq3A_486 : vector<256x512xi32>
    %ne3A_488 = arith.cmpi ne, %get3A_470, %get3A_475 : vector<1x512xi32>
    %and3A_489 = vector.broadcast %ne3A_488 : vector<1x512xi1> to vector<256x512xi1>
    %and3A_490 = arith.andi %eq3A_487, %and3A_489 : vector<256x512xi1>
    %jit3A_491 = arith.constant 1.000000e+00 : f32
    %jit3A_492 = arith.constant 0.000000e+00 : f32
    %broadcast_in_dim3A_493 = vector.broadcast %jit3A_491 : f32 to vector<256x512xf32>
    %broadcast_in_dim3A_494 = vector.broadcast %jit3A_492 : f32 to vector<256x512xf32>
    %select_n3A_495 = arith.select %and3A_490, %broadcast_in_dim3A_493, %broadcast_in_dim3A_494 : vector<256x512xi1>, vector<256x512xf32>
    %eq3A_496 = vector.broadcast %get3A_485 : vector<512x1xi32> to vector<512x256xi32>
    %eq3A_497 = arith.cmpi eq, %iota3A_39, %eq3A_496 : vector<512x256xi32>
    %ne3A_498 = arith.cmpi ne, %get3A_480, %get3A_485 : vector<512x1xi32>
    %and3A_499 = vector.broadcast %ne3A_498 : vector<512x1xi1> to vector<512x256xi1>
    %and3A_500 = arith.andi %eq3A_497, %and3A_499 : vector<512x256xi1>
    %jit3A_501 = arith.constant 1.000000e+00 : f32
    %jit3A_502 = arith.constant 0.000000e+00 : f32
    %broadcast_in_dim3A_503 = vector.broadcast %jit3A_501 : f32 to vector<512x256xf32>
    %broadcast_in_dim3A_504 = vector.broadcast %jit3A_502 : f32 to vector<512x256xf32>
    %select_n3A_505 = arith.select %and3A_500, %broadcast_in_dim3A_503, %broadcast_in_dim3A_504 : vector<512x256xi1>, vector<512x256xf32>
    %get3A_506 = arith.constant 0 : index
    %get3A_507 = arith.constant 0 : index
    %get3A_508 = vector.load %arg1[%get3A_506, %get3A_507] : memref<32x16xf32, #tpu.memory_space<vmem>>, vector<32x16xf32>
    %reduce_sum3A_509 = arith.constant dense<0.000000e+00> : vector<32xf32>
    %reduce_sum3A_510 = vector.multi_reduction <add>, %get3A_508, %reduce_sum3A_509 [1] : vector<32x16xf32> to vector<32xf32>
    %broadcast_in_dim3A_511 = vector.shape_cast %reduce_sum3A_510 : vector<32xf32> to vector<32x1xf32>
    %reduce_sum3A_512 = arith.constant dense<0.000000e+00> : vector<1xf32>
    %reduce_sum3A_513 = vector.multi_reduction <add>, %broadcast_in_dim3A_511, %reduce_sum3A_512 [0] : vector<32x1xf32> to vector<1xf32>
    %broadcast_in_dim3A_514 = vector.shape_cast %reduce_sum3A_513 : vector<1xf32> to vector<1x1xf32>
    %eq3A_515 = arith.constant 0 : i32
    %eq3A_516 = arith.cmpi eq, %arg0, %eq3A_515 : i32
    %and3A_517 = arith.constant false
    %and3A_518 = arith.andi %eq3A_516, %and3A_517 : i1
    %jit3A_519 = arith.constant 0.000000e+00 : f32
    %broadcast_in_dim3A_520 = vector.broadcast %jit3A_519 : f32 to vector<1x1xf32>
    %select_n3A_521 = arith.select %and3A_518, %broadcast_in_dim3A_514, %broadcast_in_dim3A_520 : vector<1x1xf32>
    %eq3A_522 = arith.constant 0 : i32
    %eq3A_523 = vector.broadcast %eq3A_522 : i32 to vector<256x256xi32>
    %eq3A_524 = arith.cmpi eq, %iota3A_40, %eq3A_523 : vector<256x256xi32>
    %eq3A_525 = arith.constant 0 : i32
    %eq3A_526 = vector.broadcast %eq3A_525 : i32 to vector<256x256xi32>
    %eq3A_527 = arith.cmpi eq, %iota3A_41, %eq3A_526 : vector<256x256xi32>
    %and3A_528 = arith.andi %eq3A_524, %eq3A_527 : vector<256x256xi1>
    %jit3A_529 = arith.constant 0.000000e+00 : f32
    %broadcast_in_dim3A_530 = vector.shape_cast %select_n3A_521 : vector<1x1xf32> to vector<1x1xf32>
    %broadcast_in_dim3A_531 = vector.broadcast %broadcast_in_dim3A_530 : vector<1x1xf32> to vector<256x256xf32>
    %broadcast_in_dim3A_532 = vector.broadcast %jit3A_529 : f32 to vector<256x256xf32>
    %select_n3A_533 = arith.select %and3A_528, %broadcast_in_dim3A_531, %broadcast_in_dim3A_532 : vector<256x256xi1>, vector<256x256xf32>
    %add3A_534 = arith.addf %select_n3A, %select_n3A_533 : vector<256x256xf32>
    %concatenate3A_535 = tpu.concatenate %select_n3A_495, %select_n3A in 1 : vector<256x512xf32>, vector<256x256xf32> -> vector<256x768xf32>
    %concatenate3A_536 = tpu.concatenate %select_n3A_505, %add3A_534 in 0 : vector<512x256xf32>, vector<256x256xf32> -> vector<768x256xf32>
    %get3A_537 = arith.constant 7 : index
    %get3A_538 = arith.constant 0 : index
    %get3A_539 = arith.constant 0 : index
    %get3A_540 = vector.load %arg3[%get3A_537, %get3A_538, %get3A_539] : memref<8x1x512xi32, #tpu.memory_space<vmem>>, vector<1x1x512xi32>
    %get3A_541 = vector.shape_cast %get3A_540 : vector<1x1x512xi32> to vector<1x512xi32>
    %get3A_542 = arith.constant 7 : index
    %get3A_543 = arith.constant 0 : index
    %get3A_544 = arith.constant 0 : index
    %get3A_545 = vector.load %arg4[%get3A_542, %get3A_543, %get3A_544] : memref<8x1x512xi32, #tpu.memory_space<vmem>>, vector<1x1x512xi32>
    %get3A_546 = vector.shape_cast %get3A_545 : vector<1x1x512xi32> to vector<1x512xi32>
    %get3A_547 = arith.constant 7 : index
    %get3A_548 = arith.constant 0 : index
    %get3A_549 = arith.constant 0 : index
    %get3A_550 = vector.load %arg5[%get3A_547, %get3A_548, %get3A_549] : memref<8x512x1xi32, #tpu.memory_space<vmem>>, vector<1x512x1xi32>
    %get3A_551 = vector.shape_cast %get3A_550 : vector<1x512x1xi32> to vector<512x1xi32>
    %get3A_552 = arith.constant 7 : index
    %get3A_553 = arith.constant 0 : index
    %get3A_554 = arith.constant 0 : index
    %get3A_555 = vector.load %arg6[%get3A_552, %get3A_553, %get3A_554] : memref<8x512x1xi32, #tpu.memory_space<vmem>>, vector<1x512x1xi32>
    %get3A_556 = vector.shape_cast %get3A_555 : vector<1x512x1xi32> to vector<512x1xi32>
    %eq3A_557 = vector.broadcast %get3A_541 : vector<1x512xi32> to vector<256x512xi32>
    %eq3A_558 = arith.cmpi eq, %iota3A, %eq3A_557 : vector<256x512xi32>
    %ne3A_559 = arith.cmpi ne, %get3A_541, %get3A_546 : vector<1x512xi32>
    %and3A_560 = vector.broadcast %ne3A_559 : vector<1x512xi1> to vector<256x512xi1>
    %and3A_561 = arith.andi %eq3A_558, %and3A_560 : vector<256x512xi1>
    %jit3A_562 = arith.constant 1.000000e+00 : f32
    %jit3A_563 = arith.constant 0.000000e+00 : f32
    %broadcast_in_dim3A_564 = vector.broadcast %jit3A_562 : f32 to vector<256x512xf32>
    %broadcast_in_dim3A_565 = vector.broadcast %jit3A_563 : f32 to vector<256x512xf32>
    %select_n3A_566 = arith.select %and3A_561, %broadcast_in_dim3A_564, %broadcast_in_dim3A_565 : vector<256x512xi1>, vector<256x512xf32>
    %eq3A_567 = vector.broadcast %get3A_556 : vector<512x1xi32> to vector<512x256xi32>
    %eq3A_568 = arith.cmpi eq, %iota3A_39, %eq3A_567 : vector<512x256xi32>
    %ne3A_569 = arith.cmpi ne, %get3A_551, %get3A_556 : vector<512x1xi32>
    %and3A_570 = vector.broadcast %ne3A_569 : vector<512x1xi1> to vector<512x256xi1>
    %and3A_571 = arith.andi %eq3A_568, %and3A_570 : vector<512x256xi1>
    %jit3A_572 = arith.constant 1.000000e+00 : f32
    %jit3A_573 = arith.constant 0.000000e+00 : f32
    %broadcast_in_dim3A_574 = vector.broadcast %jit3A_572 : f32 to vector<512x256xf32>
    %broadcast_in_dim3A_575 = vector.broadcast %jit3A_573 : f32 to vector<512x256xf32>
    %select_n3A_576 = arith.select %and3A_571, %broadcast_in_dim3A_574, %broadcast_in_dim3A_575 : vector<512x256xi1>, vector<512x256xf32>
    %get3A_577 = arith.constant 0 : index
    %get3A_578 = arith.constant 0 : index
    %get3A_579 = vector.load %arg1[%get3A_577, %get3A_578] : memref<32x16xf32, #tpu.memory_space<vmem>>, vector<32x16xf32>
    %reduce_sum3A_580 = arith.constant dense<0.000000e+00> : vector<32xf32>
    %reduce_sum3A_581 = vector.multi_reduction <add>, %get3A_579, %reduce_sum3A_580 [1] : vector<32x16xf32> to vector<32xf32>
    %broadcast_in_dim3A_582 = vector.shape_cast %reduce_sum3A_581 : vector<32xf32> to vector<32x1xf32>
    %reduce_sum3A_583 = arith.constant dense<0.000000e+00> : vector<1xf32>
    %reduce_sum3A_584 = vector.multi_reduction <add>, %broadcast_in_dim3A_582, %reduce_sum3A_583 [0] : vector<32x1xf32> to vector<1xf32>
    %broadcast_in_dim3A_585 = vector.shape_cast %reduce_sum3A_584 : vector<1xf32> to vector<1x1xf32>
    %eq3A_586 = arith.constant 0 : i32
    %eq3A_587 = arith.cmpi eq, %arg0, %eq3A_586 : i32
    %and3A_588 = arith.constant false
    %and3A_589 = arith.andi %eq3A_587, %and3A_588 : i1
    %jit3A_590 = arith.constant 0.000000e+00 : f32
    %broadcast_in_dim3A_591 = vector.broadcast %jit3A_590 : f32 to vector<1x1xf32>
    %select_n3A_592 = arith.select %and3A_589, %broadcast_in_dim3A_585, %broadcast_in_dim3A_591 : vector<1x1xf32>
    %eq3A_593 = arith.constant 0 : i32
    %eq3A_594 = vector.broadcast %eq3A_593 : i32 to vector<256x256xi32>
    %eq3A_595 = arith.cmpi eq, %iota3A_40, %eq3A_594 : vector<256x256xi32>
    %eq3A_596 = arith.constant 0 : i32
    %eq3A_597 = vector.broadcast %eq3A_596 : i32 to vector<256x256xi32>
    %eq3A_598 = arith.cmpi eq, %iota3A_41, %eq3A_597 : vector<256x256xi32>
    %and3A_599 = arith.andi %eq3A_595, %eq3A_598 : vector<256x256xi1>
    %jit3A_600 = arith.constant 0.000000e+00 : f32
    %broadcast_in_dim3A_601 = vector.shape_cast %select_n3A_592 : vector<1x1xf32> to vector<1x1xf32>
    %broadcast_in_dim3A_602 = vector.broadcast %broadcast_in_dim3A_601 : vector<1x1xf32> to vector<256x256xf32>
    %broadcast_in_dim3A_603 = vector.broadcast %jit3A_600 : f32 to vector<256x256xf32>
    %select_n3A_604 = arith.select %and3A_599, %broadcast_in_dim3A_602, %broadcast_in_dim3A_603 : vector<256x256xi1>, vector<256x256xf32>
    %add3A_605 = arith.addf %select_n3A, %select_n3A_604 : vector<256x256xf32>
    %concatenate3A_606 = tpu.concatenate %select_n3A_566, %select_n3A in 1 : vector<256x512xf32>, vector<256x256xf32> -> vector<256x768xf32>
    %concatenate3A_607 = tpu.concatenate %select_n3A_576, %add3A_605 in 0 : vector<512x256xf32>, vector<256x256xf32> -> vector<768x256xf32>
    %slice3A = vector.extract_strided_slice %concatenate3A {offsets = [0, 0], sizes = [5, 256], strides = [1, 1]} : vector<5x2048xf32> to vector<5x256xf32>
    %dot_general3A = arith.constant dense<0.000000e+00> : vector<5x768xf32>
    %dot_general3A_608 = tpu.matmul %slice3A, %concatenate3A_109, %dot_general3A {dimension_numbers = #tpu.dot_dimension_numbers<[1], [0], [0], [1], [0, 0, 1, 1], [], []>, precision = #tpu.contract_precision<fp32>, transpose_lhs_hint = false} : vector<5x256xf32>, vector<256x768xf32>, vector<5x768xf32> -> vector<5x768xf32>
    %dot_general3A_609 = arith.constant dense<0.000000e+00> : vector<5x256xf32>
    %dot_general3A_610 = tpu.matmul %dot_general3A_608, %concatenate3A_110, %dot_general3A_609 {dimension_numbers = #tpu.dot_dimension_numbers<[1], [0], [0], [1], [0, 0, 1, 1], [], []>, precision = #tpu.contract_precision<fp32>, transpose_lhs_hint = false} : vector<5x768xf32>, vector<768x256xf32>, vector<5x256xf32> -> vector<5x256xf32>
    %slice3A_611 = vector.extract_strided_slice %concatenate3A {offsets = [0, 256], sizes = [5, 256], strides = [1, 1]} : vector<5x2048xf32> to vector<5x256xf32>
    %dot_general3A_612 = arith.constant dense<0.000000e+00> : vector<5x768xf32>
    %dot_general3A_613 = tpu.matmul %slice3A_611, %concatenate3A_180, %dot_general3A_612 {dimension_numbers = #tpu.dot_dimension_numbers<[1], [0], [0], [1], [0, 0, 1, 1], [], []>, precision = #tpu.contract_precision<fp32>, transpose_lhs_hint = false} : vector<5x256xf32>, vector<256x768xf32>, vector<5x768xf32> -> vector<5x768xf32>
    %dot_general3A_614 = arith.constant dense<0.000000e+00> : vector<5x256xf32>
    %dot_general3A_615 = tpu.matmul %dot_general3A_613, %concatenate3A_181, %dot_general3A_614 {dimension_numbers = #tpu.dot_dimension_numbers<[1], [0], [0], [1], [0, 0, 1, 1], [], []>, precision = #tpu.contract_precision<fp32>, transpose_lhs_hint = false} : vector<5x768xf32>, vector<768x256xf32>, vector<5x256xf32> -> vector<5x256xf32>
    %slice3A_616 = vector.extract_strided_slice %concatenate3A {offsets = [0, 512], sizes = [5, 256], strides = [1, 1]} : vector<5x2048xf32> to vector<5x256xf32>
    %dot_general3A_617 = arith.constant dense<0.000000e+00> : vector<5x768xf32>
    %dot_general3A_618 = tpu.matmul %slice3A_616, %concatenate3A_251, %dot_general3A_617 {dimension_numbers = #tpu.dot_dimension_numbers<[1], [0], [0], [1], [0, 0, 1, 1], [], []>, precision = #tpu.contract_precision<fp32>, transpose_lhs_hint = false} : vector<5x256xf32>, vector<256x768xf32>, vector<5x768xf32> -> vector<5x768xf32>
    %dot_general3A_619 = arith.constant dense<0.000000e+00> : vector<5x256xf32>
    %dot_general3A_620 = tpu.matmul %dot_general3A_618, %concatenate3A_252, %dot_general3A_619 {dimension_numbers = #tpu.dot_dimension_numbers<[1], [0], [0], [1], [0, 0, 1, 1], [], []>, precision = #tpu.contract_precision<fp32>, transpose_lhs_hint = false} : vector<5x768xf32>, vector<768x256xf32>, vector<5x256xf32> -> vector<5x256xf32>
    %slice3A_621 = vector.extract_strided_slice %concatenate3A {offsets = [0, 768], sizes = [5, 256], strides = [1, 1]} : vector<5x2048xf32> to vector<5x256xf32>
    %dot_general3A_622 = arith.constant dense<0.000000e+00> : vector<5x768xf32>
    %dot_general3A_623 = tpu.matmul %slice3A_621, %concatenate3A_322, %dot_general3A_622 {dimension_numbers = #tpu.dot_dimension_numbers<[1], [0], [0], [1], [0, 0, 1, 1], [], []>, precision = #tpu.contract_precision<fp32>, transpose_lhs_hint = false} : vector<5x256xf32>, vector<256x768xf32>, vector<5x768xf32> -> vector<5x768xf32>
    %dot_general3A_624 = arith.constant dense<0.000000e+00> : vector<5x256xf32>
    %dot_general3A_625 = tpu.matmul %dot_general3A_623, %concatenate3A_323, %dot_general3A_624 {dimension_numbers = #tpu.dot_dimension_numbers<[1], [0], [0], [1], [0, 0, 1, 1], [], []>, precision = #tpu.contract_precision<fp32>, transpose_lhs_hint = false} : vector<5x768xf32>, vector<768x256xf32>, vector<5x256xf32> -> vector<5x256xf32>
    %slice3A_626 = vector.extract_strided_slice %concatenate3A {offsets = [0, 1024], sizes = [5, 256], strides = [1, 1]} : vector<5x2048xf32> to vector<5x256xf32>
    %dot_general3A_627 = arith.constant dense<0.000000e+00> : vector<5x768xf32>
    %dot_general3A_628 = tpu.matmul %slice3A_626, %concatenate3A_393, %dot_general3A_627 {dimension_numbers = #tpu.dot_dimension_numbers<[1], [0], [0], [1], [0, 0, 1, 1], [], []>, precision = #tpu.contract_precision<fp32>, transpose_lhs_hint = false} : vector<5x256xf32>, vector<256x768xf32>, vector<5x768xf32> -> vector<5x768xf32>
    %dot_general3A_629 = arith.constant dense<0.000000e+00> : vector<5x256xf32>
    %dot_general3A_630 = tpu.matmul %dot_general3A_628, %concatenate3A_394, %dot_general3A_629 {dimension_numbers = #tpu.dot_dimension_numbers<[1], [0], [0], [1], [0, 0, 1, 1], [], []>, precision = #tpu.contract_precision<fp32>, transpose_lhs_hint = false} : vector<5x768xf32>, vector<768x256xf32>, vector<5x256xf32> -> vector<5x256xf32>
    %slice3A_631 = vector.extract_strided_slice %concatenate3A {offsets = [0, 1280], sizes = [5, 256], strides = [1, 1]} : vector<5x2048xf32> to vector<5x256xf32>
    %dot_general3A_632 = arith.constant dense<0.000000e+00> : vector<5x768xf32>
    %dot_general3A_633 = tpu.matmul %slice3A_631, %concatenate3A_464, %dot_general3A_632 {dimension_numbers = #tpu.dot_dimension_numbers<[1], [0], [0], [1], [0, 0, 1, 1], [], []>, precision = #tpu.contract_precision<fp32>, transpose_lhs_hint = false} : vector<5x256xf32>, vector<256x768xf32>, vector<5x768xf32> -> vector<5x768xf32>
    %dot_general3A_634 = arith.constant dense<0.000000e+00> : vector<5x256xf32>
    %dot_general3A_635 = tpu.matmul %dot_general3A_633, %concatenate3A_465, %dot_general3A_634 {dimension_numbers = #tpu.dot_dimension_numbers<[1], [0], [0], [1], [0, 0, 1, 1], [], []>, precision = #tpu.contract_precision<fp32>, transpose_lhs_hint = false} : vector<5x768xf32>, vector<768x256xf32>, vector<5x256xf32> -> vector<5x256xf32>
    %slice3A_636 = vector.extract_strided_slice %concatenate3A {offsets = [0, 1536], sizes = [5, 256], strides = [1, 1]} : vector<5x2048xf32> to vector<5x256xf32>
    %dot_general3A_637 = arith.constant dense<0.000000e+00> : vector<5x768xf32>
    %dot_general3A_638 = tpu.matmul %slice3A_636, %concatenate3A_535, %dot_general3A_637 {dimension_numbers = #tpu.dot_dimension_numbers<[1], [0], [0], [1], [0, 0, 1, 1], [], []>, precision = #tpu.contract_precision<fp32>, transpose_lhs_hint = false} : vector<5x256xf32>, vector<256x768xf32>, vector<5x768xf32> -> vector<5x768xf32>
    %dot_general3A_639 = arith.constant dense<0.000000e+00> : vector<5x256xf32>
    %dot_general3A_640 = tpu.matmul %dot_general3A_638, %concatenate3A_536, %dot_general3A_639 {dimension_numbers = #tpu.dot_dimension_numbers<[1], [0], [0], [1], [0, 0, 1, 1], [], []>, precision = #tpu.contract_precision<fp32>, transpose_lhs_hint = false} : vector<5x768xf32>, vector<768x256xf32>, vector<5x256xf32> -> vector<5x256xf32>
    %slice3A_641 = vector.extract_strided_slice %concatenate3A {offsets = [0, 1792], sizes = [5, 256], strides = [1, 1]} : vector<5x2048xf32> to vector<5x256xf32>
    %dot_general3A_642 = arith.constant dense<0.000000e+00> : vector<5x768xf32>
    %dot_general3A_643 = tpu.matmul %slice3A_641, %concatenate3A_606, %dot_general3A_642 {dimension_numbers = #tpu.dot_dimension_numbers<[1], [0], [0], [1], [0, 0, 1, 1], [], []>, precision = #tpu.contract_precision<fp32>, transpose_lhs_hint = false} : vector<5x256xf32>, vector<256x768xf32>, vector<5x768xf32> -> vector<5x768xf32>
    %dot_general3A_644 = arith.constant dense<0.000000e+00> : vector<5x256xf32>
    %dot_general3A_645 = tpu.matmul %dot_general3A_643, %concatenate3A_607, %dot_general3A_644 {dimension_numbers = #tpu.dot_dimension_numbers<[1], [0], [0], [1], [0, 0, 1, 1], [], []>, precision = #tpu.contract_precision<fp32>, transpose_lhs_hint = false} : vector<5x768xf32>, vector<768x256xf32>, vector<5x256xf32> -> vector<5x256xf32>
    %concatenate3A_646 = tpu.concatenate %dot_general3A_610, %dot_general3A_615, %dot_general3A_620, %dot_general3A_625, %dot_general3A_630, %dot_general3A_635, %dot_general3A_640, %dot_general3A_645 in 1 : vector<5x256xf32>, vector<5x256xf32>, vector<5x256xf32>, vector<5x256xf32>, vector<5x256xf32>, vector<5x256xf32>, vector<5x256xf32>, vector<5x256xf32> -> vector<5x2048xf32>
    %get3A_647 = arith.constant 1 : index
    %get3A_648 = arith.constant 0 : index
    %get3A_649 = arith.constant 0 : index
    %get3A_650 = vector.load %arg9[%get3A_647, %get3A_648, %get3A_649] : memref<4x512x5xbf16, #tpu.memory_space<vmem>>, vector<1x512x5xbf16>
    %get3A_651 = vector.shape_cast %get3A_650 : vector<1x512x5xbf16> to vector<512x5xbf16>
    %convert_element_type3A = arith.truncf %concatenate3A_646 : vector<5x2048xf32> to vector<5x2048xbf16>
    %dot_general3A_652 = arith.constant dense<0.000000e+00> : vector<512x2048xf32>
    %dot_general3A_653 = tpu.matmul %get3A_651, %convert_element_type3A, %dot_general3A_652 {dimension_numbers = #tpu.dot_dimension_numbers<[1], [0], [0], [1], [0, 0, 1, 1], [], []>, transpose_lhs_hint = false} : vector<512x5xbf16>, vector<5x2048xbf16>, vector<512x2048xf32> -> vector<512x2048xf32>
    %get3A_654 = arith.constant 1 : index
    %get3A_655 = arith.constant 0 : index
    %get3A_656 = arith.constant 0 : index
    %get3A_657 = vector.load %arg10[%get3A_654, %get3A_655, %get3A_656] : memref<4x512x1xf32, #tpu.memory_space<vmem>>, vector<1x512x1xf32>
    %get3A_658 = vector.shape_cast %get3A_657 : vector<1x512x1xf32> to vector<512x1xf32>
    %add3A_659 = vector.broadcast %get3A_658 : vector<512x1xf32> to vector<512x2048xf32>
    %add3A_660 = arith.addf %dot_general3A_653, %add3A_659 : vector<512x2048xf32>
    %tanh3A = math.tanh %add3A_660 : vector<512x2048xf32>
    %get3A_661 = arith.constant 1 : index
    %get3A_662 = arith.constant 0 : index
    %get3A_663 = arith.constant 0 : index
    %get3A_664 = vector.load %arg11[%get3A_661, %get3A_662, %get3A_663] : memref<4x512x512xbf16, #tpu.memory_space<vmem>>, vector<1x512x512xbf16>
    %get3A_665 = vector.shape_cast %get3A_664 : vector<1x512x512xbf16> to vector<512x512xbf16>
    %convert_element_type3A_666 = arith.truncf %tanh3A : vector<512x2048xf32> to vector<512x2048xbf16>
    %dot_general3A_667 = arith.constant dense<0.000000e+00> : vector<512x2048xf32>
    %dot_general3A_668 = tpu.matmul %get3A_665, %convert_element_type3A_666, %dot_general3A_667 {dimension_numbers = #tpu.dot_dimension_numbers<[1], [0], [0], [1], [0, 0, 1, 1], [], []>, transpose_lhs_hint = false} : vector<512x512xbf16>, vector<512x2048xbf16>, vector<512x2048xf32> -> vector<512x2048xf32>
    %get3A_669 = arith.constant 1 : index
    %get3A_670 = arith.constant 0 : index
    %get3A_671 = arith.constant 0 : index
    %get3A_672 = vector.load %arg12[%get3A_669, %get3A_670, %get3A_671] : memref<4x512x1xf32, #tpu.memory_space<vmem>>, vector<1x512x1xf32>
    %get3A_673 = vector.shape_cast %get3A_672 : vector<1x512x1xf32> to vector<512x1xf32>
    %add3A_674 = vector.broadcast %get3A_673 : vector<512x1xf32> to vector<512x2048xf32>
    %add3A_675 = arith.addf %dot_general3A_668, %add3A_674 : vector<512x2048xf32>
    %tanh3A_676 = math.tanh %add3A_675 : vector<512x2048xf32>
    %get3A_677 = arith.constant 1 : index
    %get3A_678 = arith.constant 0 : index
    %get3A_679 = arith.constant 0 : index
    %get3A_680 = vector.load %arg13[%get3A_677, %get3A_678, %get3A_679] : memref<4x5x512xbf16, #tpu.memory_space<vmem>>, vector<1x5x512xbf16>
    %get3A_681 = vector.shape_cast %get3A_680 : vector<1x5x512xbf16> to vector<5x512xbf16>
    %convert_element_type3A_682 = arith.truncf %tanh3A_676 : vector<512x2048xf32> to vector<512x2048xbf16>
    %dot_general3A_683 = arith.constant dense<0.000000e+00> : vector<5x2048xf32>
    %dot_general3A_684 = tpu.matmul %get3A_681, %convert_element_type3A_682, %dot_general3A_683 {dimension_numbers = #tpu.dot_dimension_numbers<[1], [0], [0], [1], [0, 0, 1, 1], [], []>, transpose_lhs_hint = false} : vector<5x512xbf16>, vector<512x2048xbf16>, vector<5x2048xf32> -> vector<5x2048xf32>
    %get3A_685 = arith.constant 1 : index
    %get3A_686 = arith.constant 0 : index
    %get3A_687 = arith.constant 0 : index
    %get3A_688 = vector.load %arg14[%get3A_685, %get3A_686, %get3A_687] : memref<4x5x1xf32, #tpu.memory_space<vmem>>, vector<1x5x1xf32>
    %get3A_689 = vector.shape_cast %get3A_688 : vector<1x5x1xf32> to vector<5x1xf32>
    %add3A_690 = vector.broadcast %get3A_689 : vector<5x1xf32> to vector<5x2048xf32>
    %add3A_691 = arith.addf %dot_general3A_684, %add3A_690 : vector<5x2048xf32>
    %slice3A_692 = vector.extract_strided_slice %add3A_691 {offsets = [0, 0], sizes = [5, 256], strides = [1, 1]} : vector<5x2048xf32> to vector<5x256xf32>
    %dot_general3A_693 = arith.constant dense<0.000000e+00> : vector<5x768xf32>
    %dot_general3A_694 = tpu.matmul %slice3A_692, %concatenate3A_109, %dot_general3A_693 {dimension_numbers = #tpu.dot_dimension_numbers<[1], [0], [0], [1], [0, 0, 1, 1], [], []>, precision = #tpu.contract_precision<fp32>, transpose_lhs_hint = false} : vector<5x256xf32>, vector<256x768xf32>, vector<5x768xf32> -> vector<5x768xf32>
    %dot_general3A_695 = arith.constant dense<0.000000e+00> : vector<5x256xf32>
    %dot_general3A_696 = tpu.matmul %dot_general3A_694, %concatenate3A_110, %dot_general3A_695 {dimension_numbers = #tpu.dot_dimension_numbers<[1], [0], [0], [1], [0, 0, 1, 1], [], []>, precision = #tpu.contract_precision<fp32>, transpose_lhs_hint = false} : vector<5x768xf32>, vector<768x256xf32>, vector<5x256xf32> -> vector<5x256xf32>
    %slice3A_697 = vector.extract_strided_slice %add3A_691 {offsets = [0, 256], sizes = [5, 256], strides = [1, 1]} : vector<5x2048xf32> to vector<5x256xf32>
    %dot_general3A_698 = arith.constant dense<0.000000e+00> : vector<5x768xf32>
    %dot_general3A_699 = tpu.matmul %slice3A_697, %concatenate3A_180, %dot_general3A_698 {dimension_numbers = #tpu.dot_dimension_numbers<[1], [0], [0], [1], [0, 0, 1, 1], [], []>, precision = #tpu.contract_precision<fp32>, transpose_lhs_hint = false} : vector<5x256xf32>, vector<256x768xf32>, vector<5x768xf32> -> vector<5x768xf32>
    %dot_general3A_700 = arith.constant dense<0.000000e+00> : vector<5x256xf32>
    %dot_general3A_701 = tpu.matmul %dot_general3A_699, %concatenate3A_181, %dot_general3A_700 {dimension_numbers = #tpu.dot_dimension_numbers<[1], [0], [0], [1], [0, 0, 1, 1], [], []>, precision = #tpu.contract_precision<fp32>, transpose_lhs_hint = false} : vector<5x768xf32>, vector<768x256xf32>, vector<5x256xf32> -> vector<5x256xf32>
    %slice3A_702 = vector.extract_strided_slice %add3A_691 {offsets = [0, 512], sizes = [5, 256], strides = [1, 1]} : vector<5x2048xf32> to vector<5x256xf32>
    %dot_general3A_703 = arith.constant dense<0.000000e+00> : vector<5x768xf32>
    %dot_general3A_704 = tpu.matmul %slice3A_702, %concatenate3A_251, %dot_general3A_703 {dimension_numbers = #tpu.dot_dimension_numbers<[1], [0], [0], [1], [0, 0, 1, 1], [], []>, precision = #tpu.contract_precision<fp32>, transpose_lhs_hint = false} : vector<5x256xf32>, vector<256x768xf32>, vector<5x768xf32> -> vector<5x768xf32>
    %dot_general3A_705 = arith.constant dense<0.000000e+00> : vector<5x256xf32>
    %dot_general3A_706 = tpu.matmul %dot_general3A_704, %concatenate3A_252, %dot_general3A_705 {dimension_numbers = #tpu.dot_dimension_numbers<[1], [0], [0], [1], [0, 0, 1, 1], [], []>, precision = #tpu.contract_precision<fp32>, transpose_lhs_hint = false} : vector<5x768xf32>, vector<768x256xf32>, vector<5x256xf32> -> vector<5x256xf32>
    %slice3A_707 = vector.extract_strided_slice %add3A_691 {offsets = [0, 768], sizes = [5, 256], strides = [1, 1]} : vector<5x2048xf32> to vector<5x256xf32>
    %dot_general3A_708 = arith.constant dense<0.000000e+00> : vector<5x768xf32>
    %dot_general3A_709 = tpu.matmul %slice3A_707, %concatenate3A_322, %dot_general3A_708 {dimension_numbers = #tpu.dot_dimension_numbers<[1], [0], [0], [1], [0, 0, 1, 1], [], []>, precision = #tpu.contract_precision<fp32>, transpose_lhs_hint = false} : vector<5x256xf32>, vector<256x768xf32>, vector<5x768xf32> -> vector<5x768xf32>
    %dot_general3A_710 = arith.constant dense<0.000000e+00> : vector<5x256xf32>
    %dot_general3A_711 = tpu.matmul %dot_general3A_709, %concatenate3A_323, %dot_general3A_710 {dimension_numbers = #tpu.dot_dimension_numbers<[1], [0], [0], [1], [0, 0, 1, 1], [], []>, precision = #tpu.contract_precision<fp32>, transpose_lhs_hint = false} : vector<5x768xf32>, vector<768x256xf32>, vector<5x256xf32> -> vector<5x256xf32>
    %slice3A_712 = vector.extract_strided_slice %add3A_691 {offsets = [0, 1024], sizes = [5, 256], strides = [1, 1]} : vector<5x2048xf32> to vector<5x256xf32>
    %dot_general3A_713 = arith.constant dense<0.000000e+00> : vector<5x768xf32>
    %dot_general3A_714 = tpu.matmul %slice3A_712, %concatenate3A_393, %dot_general3A_713 {dimension_numbers = #tpu.dot_dimension_numbers<[1], [0], [0], [1], [0, 0, 1, 1], [], []>, precision = #tpu.contract_precision<fp32>, transpose_lhs_hint = false} : vector<5x256xf32>, vector<256x768xf32>, vector<5x768xf32> -> vector<5x768xf32>
    %dot_general3A_715 = arith.constant dense<0.000000e+00> : vector<5x256xf32>
    %dot_general3A_716 = tpu.matmul %dot_general3A_714, %concatenate3A_394, %dot_general3A_715 {dimension_numbers = #tpu.dot_dimension_numbers<[1], [0], [0], [1], [0, 0, 1, 1], [], []>, precision = #tpu.contract_precision<fp32>, transpose_lhs_hint = false} : vector<5x768xf32>, vector<768x256xf32>, vector<5x256xf32> -> vector<5x256xf32>
    %slice3A_717 = vector.extract_strided_slice %add3A_691 {offsets = [0, 1280], sizes = [5, 256], strides = [1, 1]} : vector<5x2048xf32> to vector<5x256xf32>
    %dot_general3A_718 = arith.constant dense<0.000000e+00> : vector<5x768xf32>
    %dot_general3A_719 = tpu.matmul %slice3A_717, %concatenate3A_464, %dot_general3A_718 {dimension_numbers = #tpu.dot_dimension_numbers<[1], [0], [0], [1], [0, 0, 1, 1], [], []>, precision = #tpu.contract_precision<fp32>, transpose_lhs_hint = false} : vector<5x256xf32>, vector<256x768xf32>, vector<5x768xf32> -> vector<5x768xf32>
    %dot_general3A_720 = arith.constant dense<0.000000e+00> : vector<5x256xf32>
    %dot_general3A_721 = tpu.matmul %dot_general3A_719, %concatenate3A_465, %dot_general3A_720 {dimension_numbers = #tpu.dot_dimension_numbers<[1], [0], [0], [1], [0, 0, 1, 1], [], []>, precision = #tpu.contract_precision<fp32>, transpose_lhs_hint = false} : vector<5x768xf32>, vector<768x256xf32>, vector<5x256xf32> -> vector<5x256xf32>
    %slice3A_722 = vector.extract_strided_slice %add3A_691 {offsets = [0, 1536], sizes = [5, 256], strides = [1, 1]} : vector<5x2048xf32> to vector<5x256xf32>
    %dot_general3A_723 = arith.constant dense<0.000000e+00> : vector<5x768xf32>
    %dot_general3A_724 = tpu.matmul %slice3A_722, %concatenate3A_535, %dot_general3A_723 {dimension_numbers = #tpu.dot_dimension_numbers<[1], [0], [0], [1], [0, 0, 1, 1], [], []>, precision = #tpu.contract_precision<fp32>, transpose_lhs_hint = false} : vector<5x256xf32>, vector<256x768xf32>, vector<5x768xf32> -> vector<5x768xf32>
    %dot_general3A_725 = arith.constant dense<0.000000e+00> : vector<5x256xf32>
    %dot_general3A_726 = tpu.matmul %dot_general3A_724, %concatenate3A_536, %dot_general3A_725 {dimension_numbers = #tpu.dot_dimension_numbers<[1], [0], [0], [1], [0, 0, 1, 1], [], []>, precision = #tpu.contract_precision<fp32>, transpose_lhs_hint = false} : vector<5x768xf32>, vector<768x256xf32>, vector<5x256xf32> -> vector<5x256xf32>
    %slice3A_727 = vector.extract_strided_slice %add3A_691 {offsets = [0, 1792], sizes = [5, 256], strides = [1, 1]} : vector<5x2048xf32> to vector<5x256xf32>
    %dot_general3A_728 = arith.constant dense<0.000000e+00> : vector<5x768xf32>
    %dot_general3A_729 = tpu.matmul %slice3A_727, %concatenate3A_606, %dot_general3A_728 {dimension_numbers = #tpu.dot_dimension_numbers<[1], [0], [0], [1], [0, 0, 1, 1], [], []>, precision = #tpu.contract_precision<fp32>, transpose_lhs_hint = false} : vector<5x256xf32>, vector<256x768xf32>, vector<5x768xf32> -> vector<5x768xf32>
    %dot_general3A_730 = arith.constant dense<0.000000e+00> : vector<5x256xf32>
    %dot_general3A_731 = tpu.matmul %dot_general3A_729, %concatenate3A_607, %dot_general3A_730 {dimension_numbers = #tpu.dot_dimension_numbers<[1], [0], [0], [1], [0, 0, 1, 1], [], []>, precision = #tpu.contract_precision<fp32>, transpose_lhs_hint = false} : vector<5x768xf32>, vector<768x256xf32>, vector<5x256xf32> -> vector<5x256xf32>
    %concatenate3A_732 = tpu.concatenate %dot_general3A_696, %dot_general3A_701, %dot_general3A_706, %dot_general3A_711, %dot_general3A_716, %dot_general3A_721, %dot_general3A_726, %dot_general3A_731 in 1 : vector<5x256xf32>, vector<5x256xf32>, vector<5x256xf32>, vector<5x256xf32>, vector<5x256xf32>, vector<5x256xf32>, vector<5x256xf32>, vector<5x256xf32> -> vector<5x2048xf32>
    %get3A_733 = arith.constant 2 : index
    %get3A_734 = arith.constant 0 : index
    %get3A_735 = arith.constant 0 : index
    %get3A_736 = vector.load %arg9[%get3A_733, %get3A_734, %get3A_735] : memref<4x512x5xbf16, #tpu.memory_space<vmem>>, vector<1x512x5xbf16>
    %get3A_737 = vector.shape_cast %get3A_736 : vector<1x512x5xbf16> to vector<512x5xbf16>
    %convert_element_type3A_738 = arith.truncf %concatenate3A_732 : vector<5x2048xf32> to vector<5x2048xbf16>
    %dot_general3A_739 = arith.constant dense<0.000000e+00> : vector<512x2048xf32>
    %dot_general3A_740 = tpu.matmul %get3A_737, %convert_element_type3A_738, %dot_general3A_739 {dimension_numbers = #tpu.dot_dimension_numbers<[1], [0], [0], [1], [0, 0, 1, 1], [], []>, transpose_lhs_hint = false} : vector<512x5xbf16>, vector<5x2048xbf16>, vector<512x2048xf32> -> vector<512x2048xf32>
    %get3A_741 = arith.constant 2 : index
    %get3A_742 = arith.constant 0 : index
    %get3A_743 = arith.constant 0 : index
    %get3A_744 = vector.load %arg10[%get3A_741, %get3A_742, %get3A_743] : memref<4x512x1xf32, #tpu.memory_space<vmem>>, vector<1x512x1xf32>
    %get3A_745 = vector.shape_cast %get3A_744 : vector<1x512x1xf32> to vector<512x1xf32>
    %add3A_746 = vector.broadcast %get3A_745 : vector<512x1xf32> to vector<512x2048xf32>
    %add3A_747 = arith.addf %dot_general3A_740, %add3A_746 : vector<512x2048xf32>
    %tanh3A_748 = math.tanh %add3A_747 : vector<512x2048xf32>
    %get3A_749 = arith.constant 2 : index
    %get3A_750 = arith.constant 0 : index
    %get3A_751 = arith.constant 0 : index
    %get3A_752 = vector.load %arg11[%get3A_749, %get3A_750, %get3A_751] : memref<4x512x512xbf16, #tpu.memory_space<vmem>>, vector<1x512x512xbf16>
    %get3A_753 = vector.shape_cast %get3A_752 : vector<1x512x512xbf16> to vector<512x512xbf16>
    %convert_element_type3A_754 = arith.truncf %tanh3A_748 : vector<512x2048xf32> to vector<512x2048xbf16>
    %dot_general3A_755 = arith.constant dense<0.000000e+00> : vector<512x2048xf32>
    %dot_general3A_756 = tpu.matmul %get3A_753, %convert_element_type3A_754, %dot_general3A_755 {dimension_numbers = #tpu.dot_dimension_numbers<[1], [0], [0], [1], [0, 0, 1, 1], [], []>, transpose_lhs_hint = false} : vector<512x512xbf16>, vector<512x2048xbf16>, vector<512x2048xf32> -> vector<512x2048xf32>
    %get3A_757 = arith.constant 2 : index
    %get3A_758 = arith.constant 0 : index
    %get3A_759 = arith.constant 0 : index
    %get3A_760 = vector.load %arg12[%get3A_757, %get3A_758, %get3A_759] : memref<4x512x1xf32, #tpu.memory_space<vmem>>, vector<1x512x1xf32>
    %get3A_761 = vector.shape_cast %get3A_760 : vector<1x512x1xf32> to vector<512x1xf32>
    %add3A_762 = vector.broadcast %get3A_761 : vector<512x1xf32> to vector<512x2048xf32>
    %add3A_763 = arith.addf %dot_general3A_756, %add3A_762 : vector<512x2048xf32>
    %tanh3A_764 = math.tanh %add3A_763 : vector<512x2048xf32>
    %get3A_765 = arith.constant 2 : index
    %get3A_766 = arith.constant 0 : index
    %get3A_767 = arith.constant 0 : index
    %get3A_768 = vector.load %arg13[%get3A_765, %get3A_766, %get3A_767] : memref<4x5x512xbf16, #tpu.memory_space<vmem>>, vector<1x5x512xbf16>
    %get3A_769 = vector.shape_cast %get3A_768 : vector<1x5x512xbf16> to vector<5x512xbf16>
    %convert_element_type3A_770 = arith.truncf %tanh3A_764 : vector<512x2048xf32> to vector<512x2048xbf16>
    %dot_general3A_771 = arith.constant dense<0.000000e+00> : vector<5x2048xf32>
    %dot_general3A_772 = tpu.matmul %get3A_769, %convert_element_type3A_770, %dot_general3A_771 {dimension_numbers = #tpu.dot_dimension_numbers<[1], [0], [0], [1], [0, 0, 1, 1], [], []>, transpose_lhs_hint = false} : vector<5x512xbf16>, vector<512x2048xbf16>, vector<5x2048xf32> -> vector<5x2048xf32>
    %get3A_773 = arith.constant 2 : index
    %get3A_774 = arith.constant 0 : index
    %get3A_775 = arith.constant 0 : index
    %get3A_776 = vector.load %arg14[%get3A_773, %get3A_774, %get3A_775] : memref<4x5x1xf32, #tpu.memory_space<vmem>>, vector<1x5x1xf32>
    %get3A_777 = vector.shape_cast %get3A_776 : vector<1x5x1xf32> to vector<5x1xf32>
    %add3A_778 = vector.broadcast %get3A_777 : vector<5x1xf32> to vector<5x2048xf32>
    %add3A_779 = arith.addf %dot_general3A_772, %add3A_778 : vector<5x2048xf32>
    %slice3A_780 = vector.extract_strided_slice %add3A_779 {offsets = [0, 0], sizes = [5, 256], strides = [1, 1]} : vector<5x2048xf32> to vector<5x256xf32>
    %dot_general3A_781 = arith.constant dense<0.000000e+00> : vector<5x768xf32>
    %dot_general3A_782 = tpu.matmul %slice3A_780, %concatenate3A_109, %dot_general3A_781 {dimension_numbers = #tpu.dot_dimension_numbers<[1], [0], [0], [1], [0, 0, 1, 1], [], []>, precision = #tpu.contract_precision<fp32>, transpose_lhs_hint = false} : vector<5x256xf32>, vector<256x768xf32>, vector<5x768xf32> -> vector<5x768xf32>
    %dot_general3A_783 = arith.constant dense<0.000000e+00> : vector<5x256xf32>
    %dot_general3A_784 = tpu.matmul %dot_general3A_782, %concatenate3A_110, %dot_general3A_783 {dimension_numbers = #tpu.dot_dimension_numbers<[1], [0], [0], [1], [0, 0, 1, 1], [], []>, precision = #tpu.contract_precision<fp32>, transpose_lhs_hint = false} : vector<5x768xf32>, vector<768x256xf32>, vector<5x256xf32> -> vector<5x256xf32>
    %slice3A_785 = vector.extract_strided_slice %add3A_779 {offsets = [0, 256], sizes = [5, 256], strides = [1, 1]} : vector<5x2048xf32> to vector<5x256xf32>
    %dot_general3A_786 = arith.constant dense<0.000000e+00> : vector<5x768xf32>
    %dot_general3A_787 = tpu.matmul %slice3A_785, %concatenate3A_180, %dot_general3A_786 {dimension_numbers = #tpu.dot_dimension_numbers<[1], [0], [0], [1], [0, 0, 1, 1], [], []>, precision = #tpu.contract_precision<fp32>, transpose_lhs_hint = false} : vector<5x256xf32>, vector<256x768xf32>, vector<5x768xf32> -> vector<5x768xf32>
    %dot_general3A_788 = arith.constant dense<0.000000e+00> : vector<5x256xf32>
    %dot_general3A_789 = tpu.matmul %dot_general3A_787, %concatenate3A_181, %dot_general3A_788 {dimension_numbers = #tpu.dot_dimension_numbers<[1], [0], [0], [1], [0, 0, 1, 1], [], []>, precision = #tpu.contract_precision<fp32>, transpose_lhs_hint = false} : vector<5x768xf32>, vector<768x256xf32>, vector<5x256xf32> -> vector<5x256xf32>
    %slice3A_790 = vector.extract_strided_slice %add3A_779 {offsets = [0, 512], sizes = [5, 256], strides = [1, 1]} : vector<5x2048xf32> to vector<5x256xf32>
    %dot_general3A_791 = arith.constant dense<0.000000e+00> : vector<5x768xf32>
    %dot_general3A_792 = tpu.matmul %slice3A_790, %concatenate3A_251, %dot_general3A_791 {dimension_numbers = #tpu.dot_dimension_numbers<[1], [0], [0], [1], [0, 0, 1, 1], [], []>, precision = #tpu.contract_precision<fp32>, transpose_lhs_hint = false} : vector<5x256xf32>, vector<256x768xf32>, vector<5x768xf32> -> vector<5x768xf32>
    %dot_general3A_793 = arith.constant dense<0.000000e+00> : vector<5x256xf32>
    %dot_general3A_794 = tpu.matmul %dot_general3A_792, %concatenate3A_252, %dot_general3A_793 {dimension_numbers = #tpu.dot_dimension_numbers<[1], [0], [0], [1], [0, 0, 1, 1], [], []>, precision = #tpu.contract_precision<fp32>, transpose_lhs_hint = false} : vector<5x768xf32>, vector<768x256xf32>, vector<5x256xf32> -> vector<5x256xf32>
    %slice3A_795 = vector.extract_strided_slice %add3A_779 {offsets = [0, 768], sizes = [5, 256], strides = [1, 1]} : vector<5x2048xf32> to vector<5x256xf32>
    %dot_general3A_796 = arith.constant dense<0.000000e+00> : vector<5x768xf32>
    %dot_general3A_797 = tpu.matmul %slice3A_795, %concatenate3A_322, %dot_general3A_796 {dimension_numbers = #tpu.dot_dimension_numbers<[1], [0], [0], [1], [0, 0, 1, 1], [], []>, precision = #tpu.contract_precision<fp32>, transpose_lhs_hint = false} : vector<5x256xf32>, vector<256x768xf32>, vector<5x768xf32> -> vector<5x768xf32>
    %dot_general3A_798 = arith.constant dense<0.000000e+00> : vector<5x256xf32>
    %dot_general3A_799 = tpu.matmul %dot_general3A_797, %concatenate3A_323, %dot_general3A_798 {dimension_numbers = #tpu.dot_dimension_numbers<[1], [0], [0], [1], [0, 0, 1, 1], [], []>, precision = #tpu.contract_precision<fp32>, transpose_lhs_hint = false} : vector<5x768xf32>, vector<768x256xf32>, vector<5x256xf32> -> vector<5x256xf32>
    %slice3A_800 = vector.extract_strided_slice %add3A_779 {offsets = [0, 1024], sizes = [5, 256], strides = [1, 1]} : vector<5x2048xf32> to vector<5x256xf32>
    %dot_general3A_801 = arith.constant dense<0.000000e+00> : vector<5x768xf32>
    %dot_general3A_802 = tpu.matmul %slice3A_800, %concatenate3A_393, %dot_general3A_801 {dimension_numbers = #tpu.dot_dimension_numbers<[1], [0], [0], [1], [0, 0, 1, 1], [], []>, precision = #tpu.contract_precision<fp32>, transpose_lhs_hint = false} : vector<5x256xf32>, vector<256x768xf32>, vector<5x768xf32> -> vector<5x768xf32>
    %dot_general3A_803 = arith.constant dense<0.000000e+00> : vector<5x256xf32>
    %dot_general3A_804 = tpu.matmul %dot_general3A_802, %concatenate3A_394, %dot_general3A_803 {dimension_numbers = #tpu.dot_dimension_numbers<[1], [0], [0], [1], [0, 0, 1, 1], [], []>, precision = #tpu.contract_precision<fp32>, transpose_lhs_hint = false} : vector<5x768xf32>, vector<768x256xf32>, vector<5x256xf32> -> vector<5x256xf32>
    %slice3A_805 = vector.extract_strided_slice %add3A_779 {offsets = [0, 1280], sizes = [5, 256], strides = [1, 1]} : vector<5x2048xf32> to vector<5x256xf32>
    %dot_general3A_806 = arith.constant dense<0.000000e+00> : vector<5x768xf32>
    %dot_general3A_807 = tpu.matmul %slice3A_805, %concatenate3A_464, %dot_general3A_806 {dimension_numbers = #tpu.dot_dimension_numbers<[1], [0], [0], [1], [0, 0, 1, 1], [], []>, precision = #tpu.contract_precision<fp32>, transpose_lhs_hint = false} : vector<5x256xf32>, vector<256x768xf32>, vector<5x768xf32> -> vector<5x768xf32>
    %dot_general3A_808 = arith.constant dense<0.000000e+00> : vector<5x256xf32>
    %dot_general3A_809 = tpu.matmul %dot_general3A_807, %concatenate3A_465, %dot_general3A_808 {dimension_numbers = #tpu.dot_dimension_numbers<[1], [0], [0], [1], [0, 0, 1, 1], [], []>, precision = #tpu.contract_precision<fp32>, transpose_lhs_hint = false} : vector<5x768xf32>, vector<768x256xf32>, vector<5x256xf32> -> vector<5x256xf32>
    %slice3A_810 = vector.extract_strided_slice %add3A_779 {offsets = [0, 1536], sizes = [5, 256], strides = [1, 1]} : vector<5x2048xf32> to vector<5x256xf32>
    %dot_general3A_811 = arith.constant dense<0.000000e+00> : vector<5x768xf32>
    %dot_general3A_812 = tpu.matmul %slice3A_810, %concatenate3A_535, %dot_general3A_811 {dimension_numbers = #tpu.dot_dimension_numbers<[1], [0], [0], [1], [0, 0, 1, 1], [], []>, precision = #tpu.contract_precision<fp32>, transpose_lhs_hint = false} : vector<5x256xf32>, vector<256x768xf32>, vector<5x768xf32> -> vector<5x768xf32>
    %dot_general3A_813 = arith.constant dense<0.000000e+00> : vector<5x256xf32>
    %dot_general3A_814 = tpu.matmul %dot_general3A_812, %concatenate3A_536, %dot_general3A_813 {dimension_numbers = #tpu.dot_dimension_numbers<[1], [0], [0], [1], [0, 0, 1, 1], [], []>, precision = #tpu.contract_precision<fp32>, transpose_lhs_hint = false} : vector<5x768xf32>, vector<768x256xf32>, vector<5x256xf32> -> vector<5x256xf32>
    %slice3A_815 = vector.extract_strided_slice %add3A_779 {offsets = [0, 1792], sizes = [5, 256], strides = [1, 1]} : vector<5x2048xf32> to vector<5x256xf32>
    %dot_general3A_816 = arith.constant dense<0.000000e+00> : vector<5x768xf32>
    %dot_general3A_817 = tpu.matmul %slice3A_815, %concatenate3A_606, %dot_general3A_816 {dimension_numbers = #tpu.dot_dimension_numbers<[1], [0], [0], [1], [0, 0, 1, 1], [], []>, precision = #tpu.contract_precision<fp32>, transpose_lhs_hint = false} : vector<5x256xf32>, vector<256x768xf32>, vector<5x768xf32> -> vector<5x768xf32>
    %dot_general3A_818 = arith.constant dense<0.000000e+00> : vector<5x256xf32>
    %dot_general3A_819 = tpu.matmul %dot_general3A_817, %concatenate3A_607, %dot_general3A_818 {dimension_numbers = #tpu.dot_dimension_numbers<[1], [0], [0], [1], [0, 0, 1, 1], [], []>, precision = #tpu.contract_precision<fp32>, transpose_lhs_hint = false} : vector<5x768xf32>, vector<768x256xf32>, vector<5x256xf32> -> vector<5x256xf32>
    %concatenate3A_820 = tpu.concatenate %dot_general3A_784, %dot_general3A_789, %dot_general3A_794, %dot_general3A_799, %dot_general3A_804, %dot_general3A_809, %dot_general3A_814, %dot_general3A_819 in 1 : vector<5x256xf32>, vector<5x256xf32>, vector<5x256xf32>, vector<5x256xf32>, vector<5x256xf32>, vector<5x256xf32>, vector<5x256xf32>, vector<5x256xf32> -> vector<5x2048xf32>
    %get3A_821 = arith.constant 3 : index
    %get3A_822 = arith.constant 0 : index
    %get3A_823 = arith.constant 0 : index
    %get3A_824 = vector.load %arg9[%get3A_821, %get3A_822, %get3A_823] : memref<4x512x5xbf16, #tpu.memory_space<vmem>>, vector<1x512x5xbf16>
    %get3A_825 = vector.shape_cast %get3A_824 : vector<1x512x5xbf16> to vector<512x5xbf16>
    %convert_element_type3A_826 = arith.truncf %concatenate3A_820 : vector<5x2048xf32> to vector<5x2048xbf16>
    %dot_general3A_827 = arith.constant dense<0.000000e+00> : vector<512x2048xf32>
    %dot_general3A_828 = tpu.matmul %get3A_825, %convert_element_type3A_826, %dot_general3A_827 {dimension_numbers = #tpu.dot_dimension_numbers<[1], [0], [0], [1], [0, 0, 1, 1], [], []>, transpose_lhs_hint = false} : vector<512x5xbf16>, vector<5x2048xbf16>, vector<512x2048xf32> -> vector<512x2048xf32>
    %get3A_829 = arith.constant 3 : index
    %get3A_830 = arith.constant 0 : index
    %get3A_831 = arith.constant 0 : index
    %get3A_832 = vector.load %arg10[%get3A_829, %get3A_830, %get3A_831] : memref<4x512x1xf32, #tpu.memory_space<vmem>>, vector<1x512x1xf32>
    %get3A_833 = vector.shape_cast %get3A_832 : vector<1x512x1xf32> to vector<512x1xf32>
    %add3A_834 = vector.broadcast %get3A_833 : vector<512x1xf32> to vector<512x2048xf32>
    %add3A_835 = arith.addf %dot_general3A_828, %add3A_834 : vector<512x2048xf32>
    %tanh3A_836 = math.tanh %add3A_835 : vector<512x2048xf32>
    %get3A_837 = arith.constant 3 : index
    %get3A_838 = arith.constant 0 : index
    %get3A_839 = arith.constant 0 : index
    %get3A_840 = vector.load %arg11[%get3A_837, %get3A_838, %get3A_839] : memref<4x512x512xbf16, #tpu.memory_space<vmem>>, vector<1x512x512xbf16>
    %get3A_841 = vector.shape_cast %get3A_840 : vector<1x512x512xbf16> to vector<512x512xbf16>
    %convert_element_type3A_842 = arith.truncf %tanh3A_836 : vector<512x2048xf32> to vector<512x2048xbf16>
    %dot_general3A_843 = arith.constant dense<0.000000e+00> : vector<512x2048xf32>
    %dot_general3A_844 = tpu.matmul %get3A_841, %convert_element_type3A_842, %dot_general3A_843 {dimension_numbers = #tpu.dot_dimension_numbers<[1], [0], [0], [1], [0, 0, 1, 1], [], []>, transpose_lhs_hint = false} : vector<512x512xbf16>, vector<512x2048xbf16>, vector<512x2048xf32> -> vector<512x2048xf32>
    %get3A_845 = arith.constant 3 : index
    %get3A_846 = arith.constant 0 : index
    %get3A_847 = arith.constant 0 : index
    %get3A_848 = vector.load %arg12[%get3A_845, %get3A_846, %get3A_847] : memref<4x512x1xf32, #tpu.memory_space<vmem>>, vector<1x512x1xf32>
    %get3A_849 = vector.shape_cast %get3A_848 : vector<1x512x1xf32> to vector<512x1xf32>
    %add3A_850 = vector.broadcast %get3A_849 : vector<512x1xf32> to vector<512x2048xf32>
    %add3A_851 = arith.addf %dot_general3A_844, %add3A_850 : vector<512x2048xf32>
    %tanh3A_852 = math.tanh %add3A_851 : vector<512x2048xf32>
    %get3A_853 = arith.constant 3 : index
    %get3A_854 = arith.constant 0 : index
    %get3A_855 = arith.constant 0 : index
    %get3A_856 = vector.load %arg13[%get3A_853, %get3A_854, %get3A_855] : memref<4x5x512xbf16, #tpu.memory_space<vmem>>, vector<1x5x512xbf16>
    %get3A_857 = vector.shape_cast %get3A_856 : vector<1x5x512xbf16> to vector<5x512xbf16>
    %convert_element_type3A_858 = arith.truncf %tanh3A_852 : vector<512x2048xf32> to vector<512x2048xbf16>
    %dot_general3A_859 = arith.constant dense<0.000000e+00> : vector<5x2048xf32>
    %dot_general3A_860 = tpu.matmul %get3A_857, %convert_element_type3A_858, %dot_general3A_859 {dimension_numbers = #tpu.dot_dimension_numbers<[1], [0], [0], [1], [0, 0, 1, 1], [], []>, transpose_lhs_hint = false} : vector<5x512xbf16>, vector<512x2048xbf16>, vector<5x2048xf32> -> vector<5x2048xf32>
    %get3A_861 = arith.constant 3 : index
    %get3A_862 = arith.constant 0 : index
    %get3A_863 = arith.constant 0 : index
    %get3A_864 = vector.load %arg14[%get3A_861, %get3A_862, %get3A_863] : memref<4x5x1xf32, #tpu.memory_space<vmem>>, vector<1x5x1xf32>
    %get3A_865 = vector.shape_cast %get3A_864 : vector<1x5x1xf32> to vector<5x1xf32>
    %add3A_866 = vector.broadcast %get3A_865 : vector<5x1xf32> to vector<5x2048xf32>
    %add3A_867 = arith.addf %dot_general3A_860, %add3A_866 : vector<5x2048xf32>
    %slice3A_868 = vector.extract_strided_slice %add3A_867 {offsets = [0, 0], sizes = [5, 256], strides = [1, 1]} : vector<5x2048xf32> to vector<5x256xf32>
    %dot_general3A_869 = arith.constant dense<0.000000e+00> : vector<5x768xf32>
    %dot_general3A_870 = tpu.matmul %slice3A_868, %concatenate3A_109, %dot_general3A_869 {dimension_numbers = #tpu.dot_dimension_numbers<[1], [0], [0], [1], [0, 0, 1, 1], [], []>, precision = #tpu.contract_precision<fp32>, transpose_lhs_hint = false} : vector<5x256xf32>, vector<256x768xf32>, vector<5x768xf32> -> vector<5x768xf32>
    %dot_general3A_871 = arith.constant dense<0.000000e+00> : vector<5x256xf32>
    %dot_general3A_872 = tpu.matmul %dot_general3A_870, %concatenate3A_110, %dot_general3A_871 {dimension_numbers = #tpu.dot_dimension_numbers<[1], [0], [0], [1], [0, 0, 1, 1], [], []>, precision = #tpu.contract_precision<fp32>, transpose_lhs_hint = false} : vector<5x768xf32>, vector<768x256xf32>, vector<5x256xf32> -> vector<5x256xf32>
    %slice3A_873 = vector.extract_strided_slice %add3A_867 {offsets = [0, 256], sizes = [5, 256], strides = [1, 1]} : vector<5x2048xf32> to vector<5x256xf32>
    %dot_general3A_874 = arith.constant dense<0.000000e+00> : vector<5x768xf32>
    %dot_general3A_875 = tpu.matmul %slice3A_873, %concatenate3A_180, %dot_general3A_874 {dimension_numbers = #tpu.dot_dimension_numbers<[1], [0], [0], [1], [0, 0, 1, 1], [], []>, precision = #tpu.contract_precision<fp32>, transpose_lhs_hint = false} : vector<5x256xf32>, vector<256x768xf32>, vector<5x768xf32> -> vector<5x768xf32>
    %dot_general3A_876 = arith.constant dense<0.000000e+00> : vector<5x256xf32>
    %dot_general3A_877 = tpu.matmul %dot_general3A_875, %concatenate3A_181, %dot_general3A_876 {dimension_numbers = #tpu.dot_dimension_numbers<[1], [0], [0], [1], [0, 0, 1, 1], [], []>, precision = #tpu.contract_precision<fp32>, transpose_lhs_hint = false} : vector<5x768xf32>, vector<768x256xf32>, vector<5x256xf32> -> vector<5x256xf32>
    %slice3A_878 = vector.extract_strided_slice %add3A_867 {offsets = [0, 512], sizes = [5, 256], strides = [1, 1]} : vector<5x2048xf32> to vector<5x256xf32>
    %dot_general3A_879 = arith.constant dense<0.000000e+00> : vector<5x768xf32>
    %dot_general3A_880 = tpu.matmul %slice3A_878, %concatenate3A_251, %dot_general3A_879 {dimension_numbers = #tpu.dot_dimension_numbers<[1], [0], [0], [1], [0, 0, 1, 1], [], []>, precision = #tpu.contract_precision<fp32>, transpose_lhs_hint = false} : vector<5x256xf32>, vector<256x768xf32>, vector<5x768xf32> -> vector<5x768xf32>
    %dot_general3A_881 = arith.constant dense<0.000000e+00> : vector<5x256xf32>
    %dot_general3A_882 = tpu.matmul %dot_general3A_880, %concatenate3A_252, %dot_general3A_881 {dimension_numbers = #tpu.dot_dimension_numbers<[1], [0], [0], [1], [0, 0, 1, 1], [], []>, precision = #tpu.contract_precision<fp32>, transpose_lhs_hint = false} : vector<5x768xf32>, vector<768x256xf32>, vector<5x256xf32> -> vector<5x256xf32>
    %slice3A_883 = vector.extract_strided_slice %add3A_867 {offsets = [0, 768], sizes = [5, 256], strides = [1, 1]} : vector<5x2048xf32> to vector<5x256xf32>
    %dot_general3A_884 = arith.constant dense<0.000000e+00> : vector<5x768xf32>
    %dot_general3A_885 = tpu.matmul %slice3A_883, %concatenate3A_322, %dot_general3A_884 {dimension_numbers = #tpu.dot_dimension_numbers<[1], [0], [0], [1], [0, 0, 1, 1], [], []>, precision = #tpu.contract_precision<fp32>, transpose_lhs_hint = false} : vector<5x256xf32>, vector<256x768xf32>, vector<5x768xf32> -> vector<5x768xf32>
    %dot_general3A_886 = arith.constant dense<0.000000e+00> : vector<5x256xf32>
    %dot_general3A_887 = tpu.matmul %dot_general3A_885, %concatenate3A_323, %dot_general3A_886 {dimension_numbers = #tpu.dot_dimension_numbers<[1], [0], [0], [1], [0, 0, 1, 1], [], []>, precision = #tpu.contract_precision<fp32>, transpose_lhs_hint = false} : vector<5x768xf32>, vector<768x256xf32>, vector<5x256xf32> -> vector<5x256xf32>
    %slice3A_888 = vector.extract_strided_slice %add3A_867 {offsets = [0, 1024], sizes = [5, 256], strides = [1, 1]} : vector<5x2048xf32> to vector<5x256xf32>
    %dot_general3A_889 = arith.constant dense<0.000000e+00> : vector<5x768xf32>
    %dot_general3A_890 = tpu.matmul %slice3A_888, %concatenate3A_393, %dot_general3A_889 {dimension_numbers = #tpu.dot_dimension_numbers<[1], [0], [0], [1], [0, 0, 1, 1], [], []>, precision = #tpu.contract_precision<fp32>, transpose_lhs_hint = false} : vector<5x256xf32>, vector<256x768xf32>, vector<5x768xf32> -> vector<5x768xf32>
    %dot_general3A_891 = arith.constant dense<0.000000e+00> : vector<5x256xf32>
    %dot_general3A_892 = tpu.matmul %dot_general3A_890, %concatenate3A_394, %dot_general3A_891 {dimension_numbers = #tpu.dot_dimension_numbers<[1], [0], [0], [1], [0, 0, 1, 1], [], []>, precision = #tpu.contract_precision<fp32>, transpose_lhs_hint = false} : vector<5x768xf32>, vector<768x256xf32>, vector<5x256xf32> -> vector<5x256xf32>
    %slice3A_893 = vector.extract_strided_slice %add3A_867 {offsets = [0, 1280], sizes = [5, 256], strides = [1, 1]} : vector<5x2048xf32> to vector<5x256xf32>
    %dot_general3A_894 = arith.constant dense<0.000000e+00> : vector<5x768xf32>
    %dot_general3A_895 = tpu.matmul %slice3A_893, %concatenate3A_464, %dot_general3A_894 {dimension_numbers = #tpu.dot_dimension_numbers<[1], [0], [0], [1], [0, 0, 1, 1], [], []>, precision = #tpu.contract_precision<fp32>, transpose_lhs_hint = false} : vector<5x256xf32>, vector<256x768xf32>, vector<5x768xf32> -> vector<5x768xf32>
    %dot_general3A_896 = arith.constant dense<0.000000e+00> : vector<5x256xf32>
    %dot_general3A_897 = tpu.matmul %dot_general3A_895, %concatenate3A_465, %dot_general3A_896 {dimension_numbers = #tpu.dot_dimension_numbers<[1], [0], [0], [1], [0, 0, 1, 1], [], []>, precision = #tpu.contract_precision<fp32>, transpose_lhs_hint = false} : vector<5x768xf32>, vector<768x256xf32>, vector<5x256xf32> -> vector<5x256xf32>
    %slice3A_898 = vector.extract_strided_slice %add3A_867 {offsets = [0, 1536], sizes = [5, 256], strides = [1, 1]} : vector<5x2048xf32> to vector<5x256xf32>
    %dot_general3A_899 = arith.constant dense<0.000000e+00> : vector<5x768xf32>
    %dot_general3A_900 = tpu.matmul %slice3A_898, %concatenate3A_535, %dot_general3A_899 {dimension_numbers = #tpu.dot_dimension_numbers<[1], [0], [0], [1], [0, 0, 1, 1], [], []>, precision = #tpu.contract_precision<fp32>, transpose_lhs_hint = false} : vector<5x256xf32>, vector<256x768xf32>, vector<5x768xf32> -> vector<5x768xf32>
    %dot_general3A_901 = arith.constant dense<0.000000e+00> : vector<5x256xf32>
    %dot_general3A_902 = tpu.matmul %dot_general3A_900, %concatenate3A_536, %dot_general3A_901 {dimension_numbers = #tpu.dot_dimension_numbers<[1], [0], [0], [1], [0, 0, 1, 1], [], []>, precision = #tpu.contract_precision<fp32>, transpose_lhs_hint = false} : vector<5x768xf32>, vector<768x256xf32>, vector<5x256xf32> -> vector<5x256xf32>
    %slice3A_903 = vector.extract_strided_slice %add3A_867 {offsets = [0, 1792], sizes = [5, 256], strides = [1, 1]} : vector<5x2048xf32> to vector<5x256xf32>
    %dot_general3A_904 = arith.constant dense<0.000000e+00> : vector<5x768xf32>
    %dot_general3A_905 = tpu.matmul %slice3A_903, %concatenate3A_606, %dot_general3A_904 {dimension_numbers = #tpu.dot_dimension_numbers<[1], [0], [0], [1], [0, 0, 1, 1], [], []>, precision = #tpu.contract_precision<fp32>, transpose_lhs_hint = false} : vector<5x256xf32>, vector<256x768xf32>, vector<5x768xf32> -> vector<5x768xf32>
    %dot_general3A_906 = arith.constant dense<0.000000e+00> : vector<5x256xf32>
    %dot_general3A_907 = tpu.matmul %dot_general3A_905, %concatenate3A_607, %dot_general3A_906 {dimension_numbers = #tpu.dot_dimension_numbers<[1], [0], [0], [1], [0, 0, 1, 1], [], []>, precision = #tpu.contract_precision<fp32>, transpose_lhs_hint = false} : vector<5x768xf32>, vector<768x256xf32>, vector<5x256xf32> -> vector<5x256xf32>
    %concatenate3A_908 = tpu.concatenate %dot_general3A_872, %dot_general3A_877, %dot_general3A_882, %dot_general3A_887, %dot_general3A_892, %dot_general3A_897, %dot_general3A_902, %dot_general3A_907 in 1 : vector<5x256xf32>, vector<5x256xf32>, vector<5x256xf32>, vector<5x256xf32>, vector<5x256xf32>, vector<5x256xf32>, vector<5x256xf32>, vector<5x256xf32> -> vector<5x2048xf32>
    %iota3A_909 = tpu.iota {dimensions = array<i32: 1>} : vector<1x256xi32>
    %slice3A_910 = vector.extract_strided_slice %concatenate3A_908 {offsets = [0, 0], sizes = [5, 256], strides = [1, 1]} : vector<5x2048xf32> to vector<5x256xf32>
    %get3A_911 = arith.constant 0 : index
    %get3A_912 = arith.constant 0 : index
    %get3A_913 = arith.constant 0 : index
    %get3A_914 = vector.load %arg8[%get3A_911, %get3A_912, %get3A_913] : memref<8x1x1xi32, #tpu.memory_space<vmem>>, vector<1x1x1xi32>
    %get3A_915 = vector.shape_cast %get3A_914 : vector<1x1x1xi32> to vector<1x1xi32>
    %lt3A = vector.broadcast %get3A_915 : vector<1x1xi32> to vector<1x256xi32>
    %lt3A_916 = arith.cmpi slt, %iota3A_909, %lt3A : vector<1x256xi32>
    %get3A_917 = arith.constant 0 : index
    %get3A_918 = arith.constant 0 : index
    %get3A_919 = arith.constant 0 : index
    %get3A_920 = vector.load %arg7[%get3A_917, %get3A_918, %get3A_919] : memref<8x1x256xi32, #tpu.memory_space<vmem>>, vector<1x1x256xi32>
    %get3A_921 = vector.shape_cast %get3A_920 : vector<1x1x256xi32> to vector<1x256xi32>
    %eq3A_922 = arith.constant 1 : i32
    %eq3A_923 = vector.broadcast %eq3A_922 : i32 to vector<1x256xi32>
    %eq3A_924 = arith.cmpi eq, %get3A_921, %eq3A_923 : vector<1x256xi32>
    %and3A_925 = arith.andi %lt3A_916, %eq3A_924 : vector<1x256xi1>
    %jit3A_926 = arith.constant 0xFF800000 : f32
    %broadcast_in_dim3A_927 = vector.shape_cast %and3A_925 : vector<1x256xi1> to vector<1x256xi1>
    %broadcast_in_dim3A_928 = vector.broadcast %broadcast_in_dim3A_927 : vector<1x256xi1> to vector<5x256xi1>
    %broadcast_in_dim3A_929 = vector.broadcast %jit3A_926 : f32 to vector<5x256xf32>
    %select_n3A_930 = arith.select %broadcast_in_dim3A_928, %slice3A_910, %broadcast_in_dim3A_929 : vector<5x256xi1>, vector<5x256xf32>
    %reduce_max3A = arith.constant dense<0xFF800000> : vector<5xf32>
    %reduce_max3A_931 = vector.multi_reduction <maximumf>, %select_n3A_930, %reduce_max3A [1] : vector<5x256xf32> to vector<5xf32>
    %broadcast_in_dim3A_932 = vector.shape_cast %reduce_max3A_931 : vector<5xf32> to vector<5x1xf32>
    %is_finite3A = tpu.weird %broadcast_in_dim3A_932 : vector<5x1xf32> -> vector<5x1xi1>
    %is_finite3A_933 = arith.constant dense<true> : vector<5x1xi1>
    %is_finite3A_934 = arith.xori %is_finite3A, %is_finite3A_933 : vector<5x1xi1>
    %jit3A_935 = arith.constant 0.000000e+00 : f32
    %broadcast_in_dim3A_936 = vector.broadcast %jit3A_935 : f32 to vector<5x1xf32>
    %select_n3A_937 = arith.select %is_finite3A_934, %broadcast_in_dim3A_932, %broadcast_in_dim3A_936 : vector<5x1xi1>, vector<5x1xf32>
    %slice3A_938 = vector.extract_strided_slice %concatenate3A_908 {offsets = [0, 256], sizes = [5, 256], strides = [1, 1]} : vector<5x2048xf32> to vector<5x256xf32>
    %get3A_939 = arith.constant 1 : index
    %get3A_940 = arith.constant 0 : index
    %get3A_941 = arith.constant 0 : index
    %get3A_942 = vector.load %arg8[%get3A_939, %get3A_940, %get3A_941] : memref<8x1x1xi32, #tpu.memory_space<vmem>>, vector<1x1x1xi32>
    %get3A_943 = vector.shape_cast %get3A_942 : vector<1x1x1xi32> to vector<1x1xi32>
    %lt3A_944 = vector.broadcast %get3A_943 : vector<1x1xi32> to vector<1x256xi32>
    %lt3A_945 = arith.cmpi slt, %iota3A_909, %lt3A_944 : vector<1x256xi32>
    %get3A_946 = arith.constant 1 : index
    %get3A_947 = arith.constant 0 : index
    %get3A_948 = arith.constant 0 : index
    %get3A_949 = vector.load %arg7[%get3A_946, %get3A_947, %get3A_948] : memref<8x1x256xi32, #tpu.memory_space<vmem>>, vector<1x1x256xi32>
    %get3A_950 = vector.shape_cast %get3A_949 : vector<1x1x256xi32> to vector<1x256xi32>
    %eq3A_951 = arith.constant 1 : i32
    %eq3A_952 = vector.broadcast %eq3A_951 : i32 to vector<1x256xi32>
    %eq3A_953 = arith.cmpi eq, %get3A_950, %eq3A_952 : vector<1x256xi32>
    %and3A_954 = arith.andi %lt3A_945, %eq3A_953 : vector<1x256xi1>
    %jit3A_955 = arith.constant 0xFF800000 : f32
    %broadcast_in_dim3A_956 = vector.shape_cast %and3A_954 : vector<1x256xi1> to vector<1x256xi1>
    %broadcast_in_dim3A_957 = vector.broadcast %broadcast_in_dim3A_956 : vector<1x256xi1> to vector<5x256xi1>
    %broadcast_in_dim3A_958 = vector.broadcast %jit3A_955 : f32 to vector<5x256xf32>
    %select_n3A_959 = arith.select %broadcast_in_dim3A_957, %slice3A_938, %broadcast_in_dim3A_958 : vector<5x256xi1>, vector<5x256xf32>
    %reduce_max3A_960 = arith.constant dense<0xFF800000> : vector<5xf32>
    %reduce_max3A_961 = vector.multi_reduction <maximumf>, %select_n3A_959, %reduce_max3A_960 [1] : vector<5x256xf32> to vector<5xf32>
    %broadcast_in_dim3A_962 = vector.shape_cast %reduce_max3A_961 : vector<5xf32> to vector<5x1xf32>
    %is_finite3A_963 = tpu.weird %broadcast_in_dim3A_962 : vector<5x1xf32> -> vector<5x1xi1>
    %is_finite3A_964 = arith.constant dense<true> : vector<5x1xi1>
    %is_finite3A_965 = arith.xori %is_finite3A_963, %is_finite3A_964 : vector<5x1xi1>
    %jit3A_966 = arith.constant 0.000000e+00 : f32
    %broadcast_in_dim3A_967 = vector.broadcast %jit3A_966 : f32 to vector<5x1xf32>
    %select_n3A_968 = arith.select %is_finite3A_965, %broadcast_in_dim3A_962, %broadcast_in_dim3A_967 : vector<5x1xi1>, vector<5x1xf32>
    %slice3A_969 = vector.extract_strided_slice %concatenate3A_908 {offsets = [0, 512], sizes = [5, 256], strides = [1, 1]} : vector<5x2048xf32> to vector<5x256xf32>
    %get3A_970 = arith.constant 2 : index
    %get3A_971 = arith.constant 0 : index
    %get3A_972 = arith.constant 0 : index
    %get3A_973 = vector.load %arg8[%get3A_970, %get3A_971, %get3A_972] : memref<8x1x1xi32, #tpu.memory_space<vmem>>, vector<1x1x1xi32>
    %get3A_974 = vector.shape_cast %get3A_973 : vector<1x1x1xi32> to vector<1x1xi32>
    %lt3A_975 = vector.broadcast %get3A_974 : vector<1x1xi32> to vector<1x256xi32>
    %lt3A_976 = arith.cmpi slt, %iota3A_909, %lt3A_975 : vector<1x256xi32>
    %get3A_977 = arith.constant 2 : index
    %get3A_978 = arith.constant 0 : index
    %get3A_979 = arith.constant 0 : index
    %get3A_980 = vector.load %arg7[%get3A_977, %get3A_978, %get3A_979] : memref<8x1x256xi32, #tpu.memory_space<vmem>>, vector<1x1x256xi32>
    %get3A_981 = vector.shape_cast %get3A_980 : vector<1x1x256xi32> to vector<1x256xi32>
    %eq3A_982 = arith.constant 1 : i32
    %eq3A_983 = vector.broadcast %eq3A_982 : i32 to vector<1x256xi32>
    %eq3A_984 = arith.cmpi eq, %get3A_981, %eq3A_983 : vector<1x256xi32>
    %and3A_985 = arith.andi %lt3A_976, %eq3A_984 : vector<1x256xi1>
    %jit3A_986 = arith.constant 0xFF800000 : f32
    %broadcast_in_dim3A_987 = vector.shape_cast %and3A_985 : vector<1x256xi1> to vector<1x256xi1>
    %broadcast_in_dim3A_988 = vector.broadcast %broadcast_in_dim3A_987 : vector<1x256xi1> to vector<5x256xi1>
    %broadcast_in_dim3A_989 = vector.broadcast %jit3A_986 : f32 to vector<5x256xf32>
    %select_n3A_990 = arith.select %broadcast_in_dim3A_988, %slice3A_969, %broadcast_in_dim3A_989 : vector<5x256xi1>, vector<5x256xf32>
    %reduce_max3A_991 = arith.constant dense<0xFF800000> : vector<5xf32>
    %reduce_max3A_992 = vector.multi_reduction <maximumf>, %select_n3A_990, %reduce_max3A_991 [1] : vector<5x256xf32> to vector<5xf32>
    %broadcast_in_dim3A_993 = vector.shape_cast %reduce_max3A_992 : vector<5xf32> to vector<5x1xf32>
    %is_finite3A_994 = tpu.weird %broadcast_in_dim3A_993 : vector<5x1xf32> -> vector<5x1xi1>
    %is_finite3A_995 = arith.constant dense<true> : vector<5x1xi1>
    %is_finite3A_996 = arith.xori %is_finite3A_994, %is_finite3A_995 : vector<5x1xi1>
    %jit3A_997 = arith.constant 0.000000e+00 : f32
    %broadcast_in_dim3A_998 = vector.broadcast %jit3A_997 : f32 to vector<5x1xf32>
    %select_n3A_999 = arith.select %is_finite3A_996, %broadcast_in_dim3A_993, %broadcast_in_dim3A_998 : vector<5x1xi1>, vector<5x1xf32>
    %slice3A_1000 = vector.extract_strided_slice %concatenate3A_908 {offsets = [0, 768], sizes = [5, 256], strides = [1, 1]} : vector<5x2048xf32> to vector<5x256xf32>
    %get3A_1001 = arith.constant 3 : index
    %get3A_1002 = arith.constant 0 : index
    %get3A_1003 = arith.constant 0 : index
    %get3A_1004 = vector.load %arg8[%get3A_1001, %get3A_1002, %get3A_1003] : memref<8x1x1xi32, #tpu.memory_space<vmem>>, vector<1x1x1xi32>
    %get3A_1005 = vector.shape_cast %get3A_1004 : vector<1x1x1xi32> to vector<1x1xi32>
    %lt3A_1006 = vector.broadcast %get3A_1005 : vector<1x1xi32> to vector<1x256xi32>
    %lt3A_1007 = arith.cmpi slt, %iota3A_909, %lt3A_1006 : vector<1x256xi32>
    %get3A_1008 = arith.constant 3 : index
    %get3A_1009 = arith.constant 0 : index
    %get3A_1010 = arith.constant 0 : index
    %get3A_1011 = vector.load %arg7[%get3A_1008, %get3A_1009, %get3A_1010] : memref<8x1x256xi32, #tpu.memory_space<vmem>>, vector<1x1x256xi32>
    %get3A_1012 = vector.shape_cast %get3A_1011 : vector<1x1x256xi32> to vector<1x256xi32>
    %eq3A_1013 = arith.constant 1 : i32
    %eq3A_1014 = vector.broadcast %eq3A_1013 : i32 to vector<1x256xi32>
    %eq3A_1015 = arith.cmpi eq, %get3A_1012, %eq3A_1014 : vector<1x256xi32>
    %and3A_1016 = arith.andi %lt3A_1007, %eq3A_1015 : vector<1x256xi1>
    %jit3A_1017 = arith.constant 0xFF800000 : f32
    %broadcast_in_dim3A_1018 = vector.shape_cast %and3A_1016 : vector<1x256xi1> to vector<1x256xi1>
    %broadcast_in_dim3A_1019 = vector.broadcast %broadcast_in_dim3A_1018 : vector<1x256xi1> to vector<5x256xi1>
    %broadcast_in_dim3A_1020 = vector.broadcast %jit3A_1017 : f32 to vector<5x256xf32>
    %select_n3A_1021 = arith.select %broadcast_in_dim3A_1019, %slice3A_1000, %broadcast_in_dim3A_1020 : vector<5x256xi1>, vector<5x256xf32>
    %reduce_max3A_1022 = arith.constant dense<0xFF800000> : vector<5xf32>
    %reduce_max3A_1023 = vector.multi_reduction <maximumf>, %select_n3A_1021, %reduce_max3A_1022 [1] : vector<5x256xf32> to vector<5xf32>
    %broadcast_in_dim3A_1024 = vector.shape_cast %reduce_max3A_1023 : vector<5xf32> to vector<5x1xf32>
    %is_finite3A_1025 = tpu.weird %broadcast_in_dim3A_1024 : vector<5x1xf32> -> vector<5x1xi1>
    %is_finite3A_1026 = arith.constant dense<true> : vector<5x1xi1>
    %is_finite3A_1027 = arith.xori %is_finite3A_1025, %is_finite3A_1026 : vector<5x1xi1>
    %jit3A_1028 = arith.constant 0.000000e+00 : f32
    %broadcast_in_dim3A_1029 = vector.broadcast %jit3A_1028 : f32 to vector<5x1xf32>
    %select_n3A_1030 = arith.select %is_finite3A_1027, %broadcast_in_dim3A_1024, %broadcast_in_dim3A_1029 : vector<5x1xi1>, vector<5x1xf32>
    %slice3A_1031 = vector.extract_strided_slice %concatenate3A_908 {offsets = [0, 1024], sizes = [5, 256], strides = [1, 1]} : vector<5x2048xf32> to vector<5x256xf32>
    %get3A_1032 = arith.constant 4 : index
    %get3A_1033 = arith.constant 0 : index
    %get3A_1034 = arith.constant 0 : index
    %get3A_1035 = vector.load %arg8[%get3A_1032, %get3A_1033, %get3A_1034] : memref<8x1x1xi32, #tpu.memory_space<vmem>>, vector<1x1x1xi32>
    %get3A_1036 = vector.shape_cast %get3A_1035 : vector<1x1x1xi32> to vector<1x1xi32>
    %lt3A_1037 = vector.broadcast %get3A_1036 : vector<1x1xi32> to vector<1x256xi32>
    %lt3A_1038 = arith.cmpi slt, %iota3A_909, %lt3A_1037 : vector<1x256xi32>
    %get3A_1039 = arith.constant 4 : index
    %get3A_1040 = arith.constant 0 : index
    %get3A_1041 = arith.constant 0 : index
    %get3A_1042 = vector.load %arg7[%get3A_1039, %get3A_1040, %get3A_1041] : memref<8x1x256xi32, #tpu.memory_space<vmem>>, vector<1x1x256xi32>
    %get3A_1043 = vector.shape_cast %get3A_1042 : vector<1x1x256xi32> to vector<1x256xi32>
    %eq3A_1044 = arith.constant 1 : i32
    %eq3A_1045 = vector.broadcast %eq3A_1044 : i32 to vector<1x256xi32>
    %eq3A_1046 = arith.cmpi eq, %get3A_1043, %eq3A_1045 : vector<1x256xi32>
    %and3A_1047 = arith.andi %lt3A_1038, %eq3A_1046 : vector<1x256xi1>
    %jit3A_1048 = arith.constant 0xFF800000 : f32
    %broadcast_in_dim3A_1049 = vector.shape_cast %and3A_1047 : vector<1x256xi1> to vector<1x256xi1>
    %broadcast_in_dim3A_1050 = vector.broadcast %broadcast_in_dim3A_1049 : vector<1x256xi1> to vector<5x256xi1>
    %broadcast_in_dim3A_1051 = vector.broadcast %jit3A_1048 : f32 to vector<5x256xf32>
    %select_n3A_1052 = arith.select %broadcast_in_dim3A_1050, %slice3A_1031, %broadcast_in_dim3A_1051 : vector<5x256xi1>, vector<5x256xf32>
    %reduce_max3A_1053 = arith.constant dense<0xFF800000> : vector<5xf32>
    %reduce_max3A_1054 = vector.multi_reduction <maximumf>, %select_n3A_1052, %reduce_max3A_1053 [1] : vector<5x256xf32> to vector<5xf32>
    %broadcast_in_dim3A_1055 = vector.shape_cast %reduce_max3A_1054 : vector<5xf32> to vector<5x1xf32>
    %is_finite3A_1056 = tpu.weird %broadcast_in_dim3A_1055 : vector<5x1xf32> -> vector<5x1xi1>
    %is_finite3A_1057 = arith.constant dense<true> : vector<5x1xi1>
    %is_finite3A_1058 = arith.xori %is_finite3A_1056, %is_finite3A_1057 : vector<5x1xi1>
    %jit3A_1059 = arith.constant 0.000000e+00 : f32
    %broadcast_in_dim3A_1060 = vector.broadcast %jit3A_1059 : f32 to vector<5x1xf32>
    %select_n3A_1061 = arith.select %is_finite3A_1058, %broadcast_in_dim3A_1055, %broadcast_in_dim3A_1060 : vector<5x1xi1>, vector<5x1xf32>
    %slice3A_1062 = vector.extract_strided_slice %concatenate3A_908 {offsets = [0, 1280], sizes = [5, 256], strides = [1, 1]} : vector<5x2048xf32> to vector<5x256xf32>
    %get3A_1063 = arith.constant 5 : index
    %get3A_1064 = arith.constant 0 : index
    %get3A_1065 = arith.constant 0 : index
    %get3A_1066 = vector.load %arg8[%get3A_1063, %get3A_1064, %get3A_1065] : memref<8x1x1xi32, #tpu.memory_space<vmem>>, vector<1x1x1xi32>
    %get3A_1067 = vector.shape_cast %get3A_1066 : vector<1x1x1xi32> to vector<1x1xi32>
    %lt3A_1068 = vector.broadcast %get3A_1067 : vector<1x1xi32> to vector<1x256xi32>
    %lt3A_1069 = arith.cmpi slt, %iota3A_909, %lt3A_1068 : vector<1x256xi32>
    %get3A_1070 = arith.constant 5 : index
    %get3A_1071 = arith.constant 0 : index
    %get3A_1072 = arith.constant 0 : index
    %get3A_1073 = vector.load %arg7[%get3A_1070, %get3A_1071, %get3A_1072] : memref<8x1x256xi32, #tpu.memory_space<vmem>>, vector<1x1x256xi32>
    %get3A_1074 = vector.shape_cast %get3A_1073 : vector<1x1x256xi32> to vector<1x256xi32>
    %eq3A_1075 = arith.constant 1 : i32
    %eq3A_1076 = vector.broadcast %eq3A_1075 : i32 to vector<1x256xi32>
    %eq3A_1077 = arith.cmpi eq, %get3A_1074, %eq3A_1076 : vector<1x256xi32>
    %and3A_1078 = arith.andi %lt3A_1069, %eq3A_1077 : vector<1x256xi1>
    %jit3A_1079 = arith.constant 0xFF800000 : f32
    %broadcast_in_dim3A_1080 = vector.shape_cast %and3A_1078 : vector<1x256xi1> to vector<1x256xi1>
    %broadcast_in_dim3A_1081 = vector.broadcast %broadcast_in_dim3A_1080 : vector<1x256xi1> to vector<5x256xi1>
    %broadcast_in_dim3A_1082 = vector.broadcast %jit3A_1079 : f32 to vector<5x256xf32>
    %select_n3A_1083 = arith.select %broadcast_in_dim3A_1081, %slice3A_1062, %broadcast_in_dim3A_1082 : vector<5x256xi1>, vector<5x256xf32>
    %reduce_max3A_1084 = arith.constant dense<0xFF800000> : vector<5xf32>
    %reduce_max3A_1085 = vector.multi_reduction <maximumf>, %select_n3A_1083, %reduce_max3A_1084 [1] : vector<5x256xf32> to vector<5xf32>
    %broadcast_in_dim3A_1086 = vector.shape_cast %reduce_max3A_1085 : vector<5xf32> to vector<5x1xf32>
    %is_finite3A_1087 = tpu.weird %broadcast_in_dim3A_1086 : vector<5x1xf32> -> vector<5x1xi1>
    %is_finite3A_1088 = arith.constant dense<true> : vector<5x1xi1>
    %is_finite3A_1089 = arith.xori %is_finite3A_1087, %is_finite3A_1088 : vector<5x1xi1>
    %jit3A_1090 = arith.constant 0.000000e+00 : f32
    %broadcast_in_dim3A_1091 = vector.broadcast %jit3A_1090 : f32 to vector<5x1xf32>
    %select_n3A_1092 = arith.select %is_finite3A_1089, %broadcast_in_dim3A_1086, %broadcast_in_dim3A_1091 : vector<5x1xi1>, vector<5x1xf32>
    %slice3A_1093 = vector.extract_strided_slice %concatenate3A_908 {offsets = [0, 1536], sizes = [5, 256], strides = [1, 1]} : vector<5x2048xf32> to vector<5x256xf32>
    %get3A_1094 = arith.constant 6 : index
    %get3A_1095 = arith.constant 0 : index
    %get3A_1096 = arith.constant 0 : index
    %get3A_1097 = vector.load %arg8[%get3A_1094, %get3A_1095, %get3A_1096] : memref<8x1x1xi32, #tpu.memory_space<vmem>>, vector<1x1x1xi32>
    %get3A_1098 = vector.shape_cast %get3A_1097 : vector<1x1x1xi32> to vector<1x1xi32>
    %lt3A_1099 = vector.broadcast %get3A_1098 : vector<1x1xi32> to vector<1x256xi32>
    %lt3A_1100 = arith.cmpi slt, %iota3A_909, %lt3A_1099 : vector<1x256xi32>
    %get3A_1101 = arith.constant 6 : index
    %get3A_1102 = arith.constant 0 : index
    %get3A_1103 = arith.constant 0 : index
    %get3A_1104 = vector.load %arg7[%get3A_1101, %get3A_1102, %get3A_1103] : memref<8x1x256xi32, #tpu.memory_space<vmem>>, vector<1x1x256xi32>
    %get3A_1105 = vector.shape_cast %get3A_1104 : vector<1x1x256xi32> to vector<1x256xi32>
    %eq3A_1106 = arith.constant 1 : i32
    %eq3A_1107 = vector.broadcast %eq3A_1106 : i32 to vector<1x256xi32>
    %eq3A_1108 = arith.cmpi eq, %get3A_1105, %eq3A_1107 : vector<1x256xi32>
    %and3A_1109 = arith.andi %lt3A_1100, %eq3A_1108 : vector<1x256xi1>
    %jit3A_1110 = arith.constant 0xFF800000 : f32
    %broadcast_in_dim3A_1111 = vector.shape_cast %and3A_1109 : vector<1x256xi1> to vector<1x256xi1>
    %broadcast_in_dim3A_1112 = vector.broadcast %broadcast_in_dim3A_1111 : vector<1x256xi1> to vector<5x256xi1>
    %broadcast_in_dim3A_1113 = vector.broadcast %jit3A_1110 : f32 to vector<5x256xf32>
    %select_n3A_1114 = arith.select %broadcast_in_dim3A_1112, %slice3A_1093, %broadcast_in_dim3A_1113 : vector<5x256xi1>, vector<5x256xf32>
    %reduce_max3A_1115 = arith.constant dense<0xFF800000> : vector<5xf32>
    %reduce_max3A_1116 = vector.multi_reduction <maximumf>, %select_n3A_1114, %reduce_max3A_1115 [1] : vector<5x256xf32> to vector<5xf32>
    %broadcast_in_dim3A_1117 = vector.shape_cast %reduce_max3A_1116 : vector<5xf32> to vector<5x1xf32>
    %is_finite3A_1118 = tpu.weird %broadcast_in_dim3A_1117 : vector<5x1xf32> -> vector<5x1xi1>
    %is_finite3A_1119 = arith.constant dense<true> : vector<5x1xi1>
    %is_finite3A_1120 = arith.xori %is_finite3A_1118, %is_finite3A_1119 : vector<5x1xi1>
    %jit3A_1121 = arith.constant 0.000000e+00 : f32
    %broadcast_in_dim3A_1122 = vector.broadcast %jit3A_1121 : f32 to vector<5x1xf32>
    %select_n3A_1123 = arith.select %is_finite3A_1120, %broadcast_in_dim3A_1117, %broadcast_in_dim3A_1122 : vector<5x1xi1>, vector<5x1xf32>
    %slice3A_1124 = vector.extract_strided_slice %concatenate3A_908 {offsets = [0, 1792], sizes = [5, 256], strides = [1, 1]} : vector<5x2048xf32> to vector<5x256xf32>
    %get3A_1125 = arith.constant 7 : index
    %get3A_1126 = arith.constant 0 : index
    %get3A_1127 = arith.constant 0 : index
    %get3A_1128 = vector.load %arg8[%get3A_1125, %get3A_1126, %get3A_1127] : memref<8x1x1xi32, #tpu.memory_space<vmem>>, vector<1x1x1xi32>
    %get3A_1129 = vector.shape_cast %get3A_1128 : vector<1x1x1xi32> to vector<1x1xi32>
    %lt3A_1130 = vector.broadcast %get3A_1129 : vector<1x1xi32> to vector<1x256xi32>
    %lt3A_1131 = arith.cmpi slt, %iota3A_909, %lt3A_1130 : vector<1x256xi32>
    %get3A_1132 = arith.constant 7 : index
    %get3A_1133 = arith.constant 0 : index
    %get3A_1134 = arith.constant 0 : index
    %get3A_1135 = vector.load %arg7[%get3A_1132, %get3A_1133, %get3A_1134] : memref<8x1x256xi32, #tpu.memory_space<vmem>>, vector<1x1x256xi32>
    %get3A_1136 = vector.shape_cast %get3A_1135 : vector<1x1x256xi32> to vector<1x256xi32>
    %eq3A_1137 = arith.constant 1 : i32
    %eq3A_1138 = vector.broadcast %eq3A_1137 : i32 to vector<1x256xi32>
    %eq3A_1139 = arith.cmpi eq, %get3A_1136, %eq3A_1138 : vector<1x256xi32>
    %and3A_1140 = arith.andi %lt3A_1131, %eq3A_1139 : vector<1x256xi1>
    %jit3A_1141 = arith.constant 0xFF800000 : f32
    %broadcast_in_dim3A_1142 = vector.shape_cast %and3A_1140 : vector<1x256xi1> to vector<1x256xi1>
    %broadcast_in_dim3A_1143 = vector.broadcast %broadcast_in_dim3A_1142 : vector<1x256xi1> to vector<5x256xi1>
    %broadcast_in_dim3A_1144 = vector.broadcast %jit3A_1141 : f32 to vector<5x256xf32>
    %select_n3A_1145 = arith.select %broadcast_in_dim3A_1143, %slice3A_1124, %broadcast_in_dim3A_1144 : vector<5x256xi1>, vector<5x256xf32>
    %reduce_max3A_1146 = arith.constant dense<0xFF800000> : vector<5xf32>
    %reduce_max3A_1147 = vector.multi_reduction <maximumf>, %select_n3A_1145, %reduce_max3A_1146 [1] : vector<5x256xf32> to vector<5xf32>
    %broadcast_in_dim3A_1148 = vector.shape_cast %reduce_max3A_1147 : vector<5xf32> to vector<5x1xf32>
    %is_finite3A_1149 = tpu.weird %broadcast_in_dim3A_1148 : vector<5x1xf32> -> vector<5x1xi1>
    %is_finite3A_1150 = arith.constant dense<true> : vector<5x1xi1>
    %is_finite3A_1151 = arith.xori %is_finite3A_1149, %is_finite3A_1150 : vector<5x1xi1>
    %jit3A_1152 = arith.constant 0.000000e+00 : f32
    %broadcast_in_dim3A_1153 = vector.broadcast %jit3A_1152 : f32 to vector<5x1xf32>
    %select_n3A_1154 = arith.select %is_finite3A_1151, %broadcast_in_dim3A_1148, %broadcast_in_dim3A_1153 : vector<5x1xi1>, vector<5x1xf32>
    %concatenate3A_1155 = tpu.concatenate %select_n3A_937, %select_n3A_968, %select_n3A_999, %select_n3A_1030, %select_n3A_1061, %select_n3A_1092, %select_n3A_1123, %select_n3A_1154 in 1 : vector<5x1xf32>, vector<5x1xf32>, vector<5x1xf32>, vector<5x1xf32>, vector<5x1xf32>, vector<5x1xf32>, vector<5x1xf32>, vector<5x1xf32> -> vector<5x8xf32>
    %get3A_1156 = arith.constant 0 : index
    %get3A_1157 = arith.constant 0 : index
    %get3A_1158 = vector.load %arg15[%get3A_1156, %get3A_1157] : memref<64x5xbf16, #tpu.memory_space<vmem>>, vector<64x5xbf16>
    %convert_element_type3A_1159 = arith.truncf %concatenate3A_1155 : vector<5x8xf32> to vector<5x8xbf16>
    %dot_general3A_1160 = arith.constant dense<0.000000e+00> : vector<64x8xf32>
    %dot_general3A_1161 = tpu.matmul %get3A_1158, %convert_element_type3A_1159, %dot_general3A_1160 {dimension_numbers = #tpu.dot_dimension_numbers<[1], [0], [0], [1], [0, 0, 1, 1], [], []>, transpose_lhs_hint = false} : vector<64x5xbf16>, vector<5x8xbf16>, vector<64x8xf32> -> vector<64x8xf32>
    %get3A_1162 = arith.constant 0 : index
    %get3A_1163 = arith.constant 0 : index
    %get3A_1164 = vector.load %arg16[%get3A_1162, %get3A_1163] : memref<64x1xf32, #tpu.memory_space<vmem>>, vector<64x1xf32>
    %add3A_1165 = vector.broadcast %get3A_1164 : vector<64x1xf32> to vector<64x8xf32>
    %add3A_1166 = arith.addf %dot_general3A_1161, %add3A_1165 : vector<64x8xf32>
    %tanh3A_1167 = math.tanh %add3A_1166 : vector<64x8xf32>
    %get3A_1168 = arith.constant 0 : index
    %get3A_1169 = arith.constant 0 : index
    %get3A_1170 = vector.load %arg17[%get3A_1168, %get3A_1169] : memref<32x64xbf16, #tpu.memory_space<vmem>>, vector<32x64xbf16>
    %convert_element_type3A_1171 = arith.truncf %tanh3A_1167 : vector<64x8xf32> to vector<64x8xbf16>
    %dot_general3A_1172 = arith.constant dense<0.000000e+00> : vector<32x8xf32>
    %dot_general3A_1173 = tpu.matmul %get3A_1170, %convert_element_type3A_1171, %dot_general3A_1172 {dimension_numbers = #tpu.dot_dimension_numbers<[1], [0], [0], [1], [0, 0, 1, 1], [], []>, transpose_lhs_hint = false} : vector<32x64xbf16>, vector<64x8xbf16>, vector<32x8xf32> -> vector<32x8xf32>
    %get3A_1174 = arith.constant 0 : index
    %get3A_1175 = arith.constant 0 : index
    %get3A_1176 = vector.load %arg18[%get3A_1174, %get3A_1175] : memref<32x1xf32, #tpu.memory_space<vmem>>, vector<32x1xf32>
    %add3A_1177 = vector.broadcast %get3A_1176 : vector<32x1xf32> to vector<32x8xf32>
    %add3A_1178 = arith.addf %dot_general3A_1173, %add3A_1177 : vector<32x8xf32>
    %tanh3A_1179 = math.tanh %add3A_1178 : vector<32x8xf32>
    %get3A_1180 = arith.constant 0 : index
    %get3A_1181 = arith.constant 0 : index
    %get3A_1182 = vector.load %arg19[%get3A_1180, %get3A_1181] : memref<16x32xbf16, #tpu.memory_space<vmem>>, vector<16x32xbf16>
    %convert_element_type3A_1183 = arith.truncf %tanh3A_1179 : vector<32x8xf32> to vector<32x8xbf16>
    %dot_general3A_1184 = arith.constant dense<0.000000e+00> : vector<16x8xf32>
    %dot_general3A_1185 = tpu.matmul %get3A_1182, %convert_element_type3A_1183, %dot_general3A_1184 {dimension_numbers = #tpu.dot_dimension_numbers<[1], [0], [0], [1], [0, 0, 1, 1], [], []>, transpose_lhs_hint = false} : vector<16x32xbf16>, vector<32x8xbf16>, vector<16x8xf32> -> vector<16x8xf32>
    %get3A_1186 = arith.constant 0 : index
    %get3A_1187 = arith.constant 0 : index
    %get3A_1188 = vector.load %arg20[%get3A_1186, %get3A_1187] : memref<16x1xf32, #tpu.memory_space<vmem>>, vector<16x1xf32>
    %add3A_1189 = vector.broadcast %get3A_1188 : vector<16x1xf32> to vector<16x8xf32>
    %add3A_1190 = arith.addf %dot_general3A_1185, %add3A_1189 : vector<16x8xf32>
    %tanh3A_1191 = math.tanh %add3A_1190 : vector<16x8xf32>
    %get3A_1192 = arith.constant 0 : index
    %get3A_1193 = arith.constant 0 : index
    %get3A_1194 = vector.load %arg21[%get3A_1192, %get3A_1193] : memref<1x16xbf16, #tpu.memory_space<vmem>>, vector<1x16xbf16>
    %convert_element_type3A_1195 = arith.truncf %tanh3A_1191 : vector<16x8xf32> to vector<16x8xbf16>
    %dot_general3A_1196 = arith.constant dense<0.000000e+00> : vector<1x8xf32>
    %dot_general3A_1197 = tpu.matmul %get3A_1194, %convert_element_type3A_1195, %dot_general3A_1196 {dimension_numbers = #tpu.dot_dimension_numbers<[1], [0], [0], [1], [0, 0, 1, 1], [], []>, transpose_lhs_hint = false} : vector<1x16xbf16>, vector<16x8xbf16>, vector<1x8xf32> -> vector<1x8xf32>
    %get3A_1198 = arith.constant 0 : index
    %get3A_1199 = arith.constant 0 : index
    %get3A_1200 = vector.load %arg22[%get3A_1198, %get3A_1199] : memref<1x1xf32, #tpu.memory_space<vmem>>, vector<1x1xf32>
    %add3A_1201 = vector.broadcast %get3A_1200 : vector<1x1xf32> to vector<1x8xf32>
    %add3A_1202 = arith.addf %dot_general3A_1197, %add3A_1201 : vector<1x8xf32>
    %swap3A = arith.constant 0 : index
    %swap3A_1203 = arith.constant 0 : index
    %swap3A_1204 = arith.constant 0 : index
    %swap3A_1205 = vector.load %arg23[%swap3A, %swap3A_1203, %swap3A_1204] : memref<1x1x8xf32, #tpu.memory_space<vmem>>, vector<1x1x8xf32>
    %swap3A_1206 = vector.shape_cast %swap3A_1205 : vector<1x1x8xf32> to vector<1x8xf32>
    %swap3A_1207 = vector.shape_cast %add3A_1202 : vector<1x8xf32> to vector<1x1x8xf32>
    tpu.vector_store %arg23[%swap3A, %swap3A_1203, %swap3A_1204], %swap3A_1207 {strides = array<i32>} : memref<1x1x8xf32, #tpu.memory_space<vmem>>, vector<1x1x8xf32>,
    return
  }
  func.func @transform_0(%arg0: i32) -> (i32, i32) {
    %c0_i32 = arith.constant 0 : i32
    %c0_i32_0 = arith.constant 0 : i32
    %c0_i32_1 = arith.constant 0 : i32
    return %c0_i32, %c0_i32_0 : i32, i32
  }
  func.func @transform_1(%arg0: i32) -> (i32, i32, i32) {
    %c0_i32 = arith.constant 0 : i32
    %c0_i32_0 = arith.constant 0 : i32
    %c0_i32_1 = arith.constant 0 : i32
    return %arg0, %c0_i32, %c0_i32_0 : i32, i32, i32
  }
  func.func @transform_2(%arg0: i32) -> (i32, i32, i32) {
    %c0_i32 = arith.constant 0 : i32
    %c0_i32_0 = arith.constant 0 : i32
    %c0_i32_1 = arith.constant 0 : i32
    return %arg0, %c0_i32, %c0_i32_0 : i32, i32, i32
  }
  func.func @transform_3(%arg0: i32) -> (i32, i32, i32) {
    %c0_i32 = arith.constant 0 : i32
    %c0_i32_0 = arith.constant 0 : i32
    %c0_i32_1 = arith.constant 0 : i32
    return %arg0, %c0_i32, %c0_i32_0 : i32, i32, i32
  }
  func.func @transform_4(%arg0: i32) -> (i32, i32, i32) {
    %c0_i32 = arith.constant 0 : i32
    %c0_i32_0 = arith.constant 0 : i32
    %c0_i32_1 = arith.constant 0 : i32
    return %arg0, %c0_i32, %c0_i32_0 : i32, i32, i32
  }
  func.func @transform_5(%arg0: i32) -> (i32, i32, i32) {
    %c0_i32 = arith.constant 0 : i32
    %c0_i32_0 = arith.constant 0 : i32
    %c0_i32_1 = arith.constant 0 : i32
    return %arg0, %c0_i32, %c0_i32_0 : i32, i32, i32
  }
  func.func @transform_6(%arg0: i32) -> (i32, i32, i32) {
    %c0_i32 = arith.constant 0 : i32
    %c0_i32_0 = arith.constant 0 : i32
    %c0_i32_1 = arith.constant 0 : i32
    return %arg0, %c0_i32, %c0_i32_0 : i32, i32, i32
  }
  func.func @transform_7(%arg0: i32) -> (i32, i32, i32) {
    %c0_i32 = arith.constant 0 : i32
    %c0_i32_0 = arith.constant 0 : i32
    %c0_i32_1 = arith.constant 0 : i32
    return %arg0, %c0_i32, %c0_i32_0 : i32, i32, i32
  }
  func.func @transform_8(%arg0: i32) -> (i32, i32, i32) {
    %c0_i32 = arith.constant 0 : i32
    %c0_i32_0 = arith.constant 0 : i32
    %c0_i32_1 = arith.constant 0 : i32
    %c0_i32_2 = arith.constant 0 : i32
    return %c0_i32, %c0_i32_0, %c0_i32_1 : i32, i32, i32
  }
  func.func @transform_9(%arg0: i32) -> (i32, i32, i32) {
    %c0_i32 = arith.constant 0 : i32
    %c0_i32_0 = arith.constant 0 : i32
    %c0_i32_1 = arith.constant 0 : i32
    %c0_i32_2 = arith.constant 0 : i32
    return %c0_i32, %c0_i32_0, %c0_i32_1 : i32, i32, i32
  }
  func.func @transform_10(%arg0: i32) -> (i32, i32, i32) {
    %c0_i32 = arith.constant 0 : i32
    %c0_i32_0 = arith.constant 0 : i32
    %c0_i32_1 = arith.constant 0 : i32
    %c0_i32_2 = arith.constant 0 : i32
    return %c0_i32, %c0_i32_0, %c0_i32_1 : i32, i32, i32
  }
  func.func @transform_11(%arg0: i32) -> (i32, i32, i32) {
    %c0_i32 = arith.constant 0 : i32
    %c0_i32_0 = arith.constant 0 : i32
    %c0_i32_1 = arith.constant 0 : i32
    %c0_i32_2 = arith.constant 0 : i32
    return %c0_i32, %c0_i32_0, %c0_i32_1 : i32, i32, i32
  }
  func.func @transform_12(%arg0: i32) -> (i32, i32, i32) {
    %c0_i32 = arith.constant 0 : i32
    %c0_i32_0 = arith.constant 0 : i32
    %c0_i32_1 = arith.constant 0 : i32
    %c0_i32_2 = arith.constant 0 : i32
    return %c0_i32, %c0_i32_0, %c0_i32_1 : i32, i32, i32
  }
  func.func @transform_13(%arg0: i32) -> (i32, i32, i32) {
    %c0_i32 = arith.constant 0 : i32
    %c0_i32_0 = arith.constant 0 : i32
    %c0_i32_1 = arith.constant 0 : i32
    %c0_i32_2 = arith.constant 0 : i32
    return %c0_i32, %c0_i32_0, %c0_i32_1 : i32, i32, i32
  }
  func.func @transform_14(%arg0: i32) -> (i32, i32) {
    %c0_i32 = arith.constant 0 : i32
    %c0_i32_0 = arith.constant 0 : i32
    %c0_i32_1 = arith.constant 0 : i32
    return %c0_i32, %c0_i32_0 : i32, i32
  }
  func.func @transform_15(%arg0: i32) -> (i32, i32) {
    %c0_i32 = arith.constant 0 : i32
    %c0_i32_0 = arith.constant 0 : i32
    %c0_i32_1 = arith.constant 0 : i32
    return %c0_i32, %c0_i32_0 : i32, i32
  }
  func.func @transform_16(%arg0: i32) -> (i32, i32) {
    %c0_i32 = arith.constant 0 : i32
    %c0_i32_0 = arith.constant 0 : i32
    %c0_i32_1 = arith.constant 0 : i32
    return %c0_i32, %c0_i32_0 : i32, i32
  }
  func.func @transform_17(%arg0: i32) -> (i32, i32) {
    %c0_i32 = arith.constant 0 : i32
    %c0_i32_0 = arith.constant 0 : i32
    %c0_i32_1 = arith.constant 0 : i32
    return %c0_i32, %c0_i32_0 : i32, i32
  }
  func.func @transform_18(%arg0: i32) -> (i32, i32) {
    %c0_i32 = arith.constant 0 : i32
    %c0_i32_0 = arith.constant 0 : i32
    %c0_i32_1 = arith.constant 0 : i32
    return %c0_i32, %c0_i32_0 : i32, i32
  }
  func.func @transform_19(%arg0: i32) -> (i32, i32) {
    %c0_i32 = arith.constant 0 : i32
    %c0_i32_0 = arith.constant 0 : i32
    %c0_i32_1 = arith.constant 0 : i32
    return %c0_i32, %c0_i32_0 : i32, i32
  }
  func.func @transform_20(%arg0: i32) -> (i32, i32) {
    %c0_i32 = arith.constant 0 : i32
    %c0_i32_0 = arith.constant 0 : i32
    %c0_i32_1 = arith.constant 0 : i32
    return %c0_i32, %c0_i32_0 : i32, i32
  }
  func.func @transform_21(%arg0: i32) -> (i32, i32) {
    %c0_i32 = arith.constant 0 : i32
    %c0_i32_0 = arith.constant 0 : i32
    %c0_i32_1 = arith.constant 0 : i32
    return %c0_i32, %c0_i32_0 : i32, i32
  }
  func.func @transform_22(%arg0: i32) -> (i32, i32, i32) {
    %c0_i32 = arith.constant 0 : i32
    %c0_i32_0 = arith.constant 0 : i32
    %c0_i32_1 = arith.constant 0 : i32
    return %arg0, %c0_i32, %c0_i32_0 : i32, i32, i32
  }
}

</mosaic_0001>

<sc_bundles>
// kernel: kernel.4.cloned.1.call-start
scs
__scs_entry_jumppad:
0x0: {  	(pc) =	sbr.rel $0x88, $3  }
0x1: {  	(tag) =	ssettag $0x0;
	lr =	simm.s32 $0x1  }
0x2: {  	[smem:$0x3F8F] =	sst lr;
	_ =	strace $0xD0000000  }
0x3: {  	_ = 	snop  }
0x4: {  	_ = 	snop  }
0x5: {  	_ = 	snop  }
0x6: {  	_ = 	snop  }
0x7: {  	_ = 	snop  }
__scs_overlays_trampoline_lowered:
0x8: {  	[smem:$0x3F9E] =	sst s0  }
0x9: {  	[smem:$0x3F9F] =	sst s1  }
0xa: {  	[smem:$0x3FA0] =	sst s2  }
0xb: {  	[smem:$0x3FA1] =	sst s3  }
0xc: {  	[smem:$0x3FA2] =	sst s4  }
0xd: {  	[smem:$0x3FA3] =	sst s5  }
0xe: {  	[smem:$0x3FA4] =	sst s6  }
0xf: {  	[smem:$0x3FA5] =	sst s7  }
0x10: {  	[smem:$0x3FA6] =	sst s8  }
0x11: {  	[smem:$0x3FA7] =	sst s9;
	s0 =	simm.s32 @!p0 $0x0  }
0x12: {  	s1 =	sld [smem:$0x3F8D];
	s0 =	simm.s32 @p0 $0x1  }
0x13: {  	[smem:$0x3FA8] =	sst s0;
	s0 =	simm.s32 @!p1 $0x0  }
0x14: {  	s2 =	sld [smem:$0x3F8C];
	s0 =	simm.s32 @p1 $0x1  }
0x15: {  	[smem:$0x3FA9] =	sst s0;
	s0 =	simm.s32 @!p2 $0x0  }
0x16: {  	s3 =	sld [smem:$0x3FDB];
	s0 =	simm.s32 @p2 $0x1  }
0x17: {  	s4 =	simm.s32 $0x1BF5;
	[smem:$0x3FAB] =	sst s0  }
0x18: {  	s0 =	sld [smem:$0x3F8E];
	_ =	swait.ge [sflag:s4], $0x0  }
0x19: {  	s7 =	sld [smem:$0x3F8F]  }
0x1a: {  	s8 =	sadd.s32 $0xFFFFE003, lr  }
0x1b: {  	s9 =	sadd.s32 $0xFFFFFEF7, lr;
	s5 =	simm.s32 $0xFFFFFFFF;
	p2 =	slt.u32 s8, $0xFFFFF086  }
0x1c: {  	p1 =	slt.u32 s9, $0xF7A;
	s5 =	simm.s32 @!p2 $0x0  }
0x1d: {  	s5 =	simm.s32 @p1 $0x1;
	p0 =	seq.s32 s7, s2  }
0x1e: {  	s7 =	smul.u32 @!p0 $0xF7A, s2;
	p2 =	seq.s32 @!p0 s5, $0x0  }
0x1f: {  	s9 =	smul.u32 $0xF7A, s1;
	s8 =	simm.s32 @!p0 $0x1BF5;
	p2 =	por !p2, p0  }
0x20: {  	[sflag:s8] =	ssyncset.s32 @!p0 $0xFFFFF086;
	s6 =	sadd.s32 @!p0 s3, s7;
	s7 =	simm.s32 @!p0 $0x108  }
0x21: {  	s3 =	sadd.s32 s3, s9;
	s6 =	sadd.s32 @!p0 $0x88, s6;
	s7 =	simm.s32 @p2 $0x1082  }
0x22: {  	[simem:s7], [sflag:s8] =	dma.local @!p0 [hbm:s6], $0xF7A  }
0x23: {  	s9 =	sor.u32 $0xD0000000, s2;
	s6 =	simm.s32 $0x108;
	_ =	swait.ge @!p0 [sflag:s8], $0x0  }
0x24: {  	s3 =	sadd.s32 $0x88, s3;
	s6 =	simm.s32 @!p1 $0x1082;
	[sflag:s4] =	ssyncset.s32 $0xFFFFF086  }
0x25: {  	[simem:s6], [sflag:s4] =	dma.local [hbm:s3], $0xF7A  }
0x26: {  	[smem:$0x3F8F] =	sst s1;
	(tag) =	ssettag s2;
	_ =	strace s9  }
0x27: {  	s1 =	sld [smem:$0x3F9F]  }
0x28: {  	s2 =	sld [smem:$0x3FA0]  }
0x29: {  	s4 =	sld [smem:$0x3FA2]  }
0x2a: {  	p0 =	seq.s32 s5, $0x0;
	s5 =	sld [smem:$0x3FA3]  }
0x2b: {  	s6 =	sld [smem:$0x3FA4]  }
0x2c: {  	s7 =	sld [smem:$0x3FA5]  }
0x2d: {  	s3 =	simm.s32 $0x108;
	s8 =	sld [smem:$0x3FA6]  }
0x2e: {  	s3 =	simm.s32 @!p0 $0x1082;
	s9 =	sld [smem:$0x3FA7]  }
0x2f: {  	lr =	sadd.s32 s0, s3;
	s0 =	sld [smem:$0x3F9E]  }
0x30: {  	s3 =	sld [smem:$0x3FA1]  }
0x31: {  	[smem:$0x3FAA] =	sst s10  }
0x32: {  	s10 =	sld [smem:$0x3FA8];
	_ =	sdelay $0x3  }
0x33: {  	p0 =	seq.s32 s10, $0x1;
	s10 =	sld [smem:$0x3FAA];
	_ =	sdelay $0x3  }
0x34: {  	[smem:$0x3FAA] =	sst s10  }
0x35: {  	s10 =	sld [smem:$0x3FA9];
	_ =	sdelay $0x3  }
0x36: {  	p1 =	seq.s32 s10, $0x1;
	s10 =	sld [smem:$0x3FAA];
	_ =	sdelay $0x3  }
0x37: {  	[smem:$0x3FAA] =	sst s10  }
0x38: {  	s10 =	sld [smem:$0x3FAB]  }
0x39: {  	_ = 	snop;
	(pc) =	sbr.ind lr, $3  }
0x3a: {  	_ = 	snop  }
0x3b: {  	_ = 	snop  }
0x3c: {  	p2 =	seq.s32 s10, $0x1;
	s10 =	sld [smem:$0x3FAA]  }
0x3d: {  	_ =	shalt  }
0x3e: {  	_ =	shalt  }
0x3f: {  	_ =	shalt  }
0x40: {  	_ =	shalt  }
0x41: {  	_ =	shalt  }
0x42: {  	_ =	shalt  }
0x43: {  	_ =	shalt  }
0x44: {  	_ =	shalt  }
0x45: {  	_ =	shalt  }
0x46: {  	_ =	shalt  }
0x47: {  	_ =	shalt  }
0x48: {  	_ =	shalt  }
0x49: {  	_ =	shalt  }
0x4a: {  	_ =	shalt  }
0x4b: {  	_ =	shalt  }
0x4c: {  	_ =	shalt  }
0x4d: {  	_ =	shalt  }
0x4e: {  	_ =	shalt  }
0x4f: {  	_ =	shalt  }
0x50: {  	_ =	shalt  }
0x51: {  	_ =	shalt  }
0x52: {  	_ =	shalt  }
0x53: {  	_ =	shalt  }
0x54: {  	_ =	shalt  }
0x55: {  	_ =	shalt  }
0x56: {  	_ =	shalt  }
0x57: {  	_ =	shalt  }
0x58: {  	_ =	shalt  }
0x59: {  	_ =	shalt  }
0x5a: {  	_ =	shalt  }
0x5b: {  	_ =	shalt  }
0x5c: {  	_ =	shalt  }
0x5d: {  	_ =	shalt  }
0x5e: {  	_ =	shalt  }
0x5f: {  	_ =	shalt  }
0x60: {  	_ =	shalt  }
0x61: {  	_ =	shalt  }
0x62: {  	_ =	shalt  }
0x63: {  	_ =	shalt  }
0x64: {  	_ =	shalt  }
0x65: {  	_ =	shalt  }
0x66: {  	_ =	shalt  }
0x67: {  	_ =	shalt  }
0x68: {  	_ =	shalt  }
0x69: {  	_ =	shalt  }
0x6a: {  	_ =	shalt  }
0x6b: {  	_ =	shalt  }
0x6c: {  	_ =	shalt  }
0x6d: {  	_ =	shalt  }
0x6e: {  	_ =	shalt  }
0x6f: {  	_ =	shalt  }
0x70: {  	_ =	shalt  }
0x71: {  	_ =	shalt  }
0x72: {  	_ =	shalt  }
0x73: {  	_ =	shalt  }
0x74: {  	_ =	shalt  }
0x75: {  	_ =	shalt  }
0x76: {  	_ =	shalt  }
0x77: {  	_ =	shalt  }
0x78: {  	_ =	shalt  }
0x79: {  	_ =	shalt  }
0x7a: {  	_ =	shalt  }
0x7b: {  	_ =	shalt  }
0x7c: {  	_ =	shalt  }
0x7d: {  	_ =	shalt  }
0x7e: {  	_ =	shalt  }
0x7f: {  	_ =	shalt  }
0x80: {  	_ =	shalt  }
0x81: {  	_ =	shalt  }
0x82: {  	_ =	shalt  }
0x83: {  	_ =	shalt  }
0x84: {  	_ =	shalt  }
0x85: {  	_ =	shalt  }
0x86: {  	_ =	shalt  }
0x87: {  	_ =	shalt  }
.Lfunc_end0:
.L_simem_size_0:
called_computation_lowered:
.L_overlay_start_0:
0x88: {  	s2 =	sld [smem:$0x3FD9]  }
0x89: {  	s3 =	sld [smem:$0x3FFE];
	_ =	sdelay $0x1  }
0x8a: {  	s1 =	srdreg.scid  }
0x8b: {  	s0 =	sand.u32 $0x1, s1  }
0x8c: {  	s16 =	sshll.u32 s0, $0xA;
	s2 =	sadd.s32 s3, s2  }
0x8d: {  	s2 =	sadd.s32 s2, s16  }
0x8e: {  	[smem:$0x3FB6] =	sst s2  }
0x8f: {  	_ = 	snop  }
0x90: {  	(tm) =	ssettm $0x1  }
0x91: {  	s17 =	sld [smem:$0x3FFB];
	_ =	sdelay $0x3  }
0x92: {  	_ =	strace s17  }
0x93: {  	s2 =	sld [smem:$0x3FFC];
	_ =	sdelay $0x3  }
0x94: {  	_ =	strace s2  }
0x95: {  	s2 =	sld [smem:$0x3FFD];
	_ =	sdelay $0x3  }
0x96: {  	_ =	strace s2  }
0x97: {  	_ =	strace $0x8FFFFFFF  }
0x98: {  	s18 =	sld [smem:$0x3FDB];
	_ =	sdelay $0x1  }
0x99: {  	s19 =	simm.s32 $_scs_section_size  }
0x9a: {  	s4 =	simm.s32 $_size__tile_overlayer_lowered;
	s5 =	simm.s32 $_tile_overlayer_lowered  }
0x9b: {  	s22 =	simm.s32 $0x1BFF;
	s21 =	sshll.u32 s5, $0x1;
	s2 =	sadd.s32 s19, s18  }
0x9c: {  	s6 =	simm.s32 $0x0;
	s20 =	sshll.u32 s4, $0x1;
	s4 =	sadd.s32 s21, s2  }
0x9d: {  	[timem:s6], [sflag:s22] =	dma.local [hbm:s4], s20  }
0x9e: {  	_ =	swait.ge [sflag:s22], s20  }
0x9f: {  	s3 =	ssub.s32 $0x0, s20;
	[sflag:s22] =	ssyncset.done $0x0  }
0xa0: {  	[sflag:s22] =	ssyncadd.s32 s3;
	_ =	sdelay $0x1  }
0xa1: {  	s23 =	simm.s32 $0x1B8B  }
0xa2: {  	_ =	swait.ge [sflag:s23], $0x1  }
0xa3: {  	[sflag:s23] =	ssyncset.done $0x0  }
0xa4: {  	s25 =	simm.s32 $0x1B8E;
	s24 =	sld [smem:$0x3FFE];
	[sflag:s23] =	ssyncadd.s32 $0xFFFFFFFF  }
0xa5: {  	s26 =	simm.s32 $execute0_lowered;
	[smem:$0x3FD2] =	sst s25  }
0xa6: {  	s4 =	sshll.u32 s26, $0x1;
	_ =	strace $0x80000046;
	[dreg:$0x1] =	wrdreg $0xFFFFFFFF  }
0xa7: {  	s28 =	simm.s32 $_size_execute0_lowered;
	s2 =	sadd.s32 s2, s4;
	[dreg:$0x0] =	wrdreg $0x0  }
0xa8: {  	s4 =	sshll.u32 s28, $0x1;
	[dreg:$0x2] =	wrdreg s2  }
0xa9: {  	[dreg:$0x3] =	wrdreg s4  }
0xaa: {  	[dreg:$0x4] =	wrdreg $0xC0  }
0xab: {  	_ =	task [dreg:s6], $0x5FFFF  }
0xac: {  	[dreg:$0x1] =	wrdreg $0xFFFFFFFF  }
0xad: {  	[dreg:$0x0] =	wrdreg $0x60  }
0xae: {  	[dreg:$0x2] =	wrdreg s24  }
0xaf: {  	[dreg:$0x3] =	wrdreg $0x9  }
0xb0: {  	_ =	task.clear_ibuf [dreg:s6], $0x4FFFF;
	_ =	strace $0x90000046  }
0xb1: {  	s29 =	simm.s32 $0x9;
	_ =	strace $0x80000048  }
0xb2: {  	_ =	swait.ge [sflag:s29], $0x1  }
0xb3: {  	[sflag:s29] =	ssyncadd.s32 $0xFFFFFFFF  }
0xb4: {  	_ =	strace $0x90000048  }
0xb5: {  	_ =	sfence  }
0xb6: {  	s30 =	sld [smem:$0x0];
	_ =	sdelay $0x2  }
0xb7: {  	s31 =	sshll.u32 s1, $0xD;
	s1 =	sshrl.u32 s1, $0x2  }
0xb8: {  	s3 =	sand.u32 $0x4000, s31;
	s1 =	sadd.s32 s1, s30  }
0xb9: {  	s0 =	sor.u32 s3, s0;
	s1 =	sshll.u32 s1, $0x11  }
0xba: {  	s0 =	sor.u32 s1, s0  }
0xbb: {  	s0 =	sadd.s32 $0x8F2B, s0  }
0xbc: {  	[sflag:s0] =	ssyncadd.remote.s32 $0x1  }
0xbd: {  	_ =	sfence.sel $0xFFFF  }
0xbe: {  	[dreg:$0x0] =	wrdreg $0xFFFFFFFF;
	(pc) =	sbr.abs _section_cstart, $3  }
0xbf: {  	[dreg:$0x1] =	wrdreg $0xFFFFFFFF  }
0xc0: {  	_ =	task.clear_ibuf [dreg:s6], $0x2FFFF;
	_ =	strace $0x9FFFFFFF  }
0xc1: {  	(tm) =	ssettm $0x7FFFFFFF  }
tec
execute0_lowered:
.L_overlay_start_1:
0x0: {  	(tag) =	ssettag $0x1  }
0x1: {  	s3 =	rddreg [dreg:$0x0]  }
0x2: {  	s0 =	rddreg [dreg:$0x1];
	s2 =	simm.s32 $0x0;
	s4 =	srdreg.scid  }
0x3: {  	s1 =	stileid.u32;
	s8 =	simm.s32 $0x1000;
	s9 =	simm.s32 $0x2000  }
0x4: {  	[smem:$0x7FF] =	sst s2;
	s4 =	sand.u32 $0x1, s4;
	s5 =	sshll.u32 s1, $0x1  }
0x5: {  	s10 =	simm.s32 $0x0;
	_ =	strace $0x80000047;
	s5 =	sor.u32 s4, s5  }
0x6: {  	s4 =	ssub.s32 $0x2, s4;
	s6 =	sshll.u32 s5, $0x9;
	s5 =	sshll.u32 s5, $0x4  }
0x7: {  	s31 =	sshrl.u32 s4, $0x1;
	s6 =	sadd.s32 s6, s3;
	s5 =	sadd.s32 s5, s3  }
0x8: {  	s7 =	ssub.s32 s4, s31;
	s3 =	sadd.s32 $0x1800, s6;
	s4 =	sadd.s32 $0x5800, s6  }
0x9: {  	v0 =	vimm.f32 $0.0e+00;
	s5 =	sadd.s32 $0x9800, s5;
	s6 =	smax.u32 s7, $0x1;
	s7 =	simm.s32 $0x1  }
.LBB2_1:
0xa: {  	[tilespmem:s2], [sflag:$0x1] =	stream.linear.gather [hbm4b:s3+s2], $0x1000, $0x38;
	[tilespmem:$0x2080] =	vst v63  }
0xb: {  	_ =	swait.ge [sflag:s7], $0x1000  }
0xc: {  	[sflag:s7] =	ssyncset.done $0x0  }
0xd: {  	[sflag:s7] =	ssyncadd.s32 $0xFFFFF000  }
0xe: {  	[tilespmem:s8], [sflag:$0x1] =	stream.linear.gather [hbm4b:s4+s2], $0x1000, $0x38;
	[tilespmem:$0x2080] =	vst v63  }
0xf: {  	_ =	swait.ge [sflag:s7], $0x1000  }
0x10: {  	[sflag:s7] =	ssyncset.done $0x0  }
0x11: {  	s12 =	simm.s32 $0x0;
	[sflag:s7] =	ssyncadd.s32 $0xFFFFF000  }
0x12: {  	v1 =	vld [tilespmem:s12+$0x0]  }
0x13: {  	s11 =	simm.s32 $0x40;
	v2 =	vimm.f32 $0.0e+00;
	v3 =	vld [tilespmem:s12+$0x1000]  }
.LBB2_2:
0x14: {  	_ = 	snop  }
0x15: {  	p0 =	sne.s32 s11, $0x3FC0  }
.Ltmp0:
0x16: {  	_ = 	snop;
	(pc) =	sbr.rel @p0 .LBB2_2-.Ltmp0, $4  }
0x17: {  	_ = 	snop  }
0x18: {  	s12 =	sshra.s32 s11, $0x2;
	vm0 =	veq.s32 v1, v3  }
0x19: {  	v1 =	vld [tilespmem:s12+$0x0];
	v4 =	vsel vm0, $0x3F800000, v0  }
0x1a: {  	s11 =	sadd.s32 $0x40, s11;
	v3 =	vld [tilespmem:s12+$0x1000];
	v2 =	vadd.f32 v4, v2  }
0x1b: {  	_ =	sdelay $0x3  }
0x1c: {  	vm0 =	veq.s32 v1, v3  }
0x1d: {  	v1 =	vsel vm0, $0x3F800000, v0  }
0x1e: {  	s10 =	sadd.s32 $0x1, s10;
	v1 =	vadd.f32 v1, v2  }
0x1f: {  	p0 =	sne.s32 s10, s6  }
.Ltmp1:
0x20: {  	[tilespmem:$0x2000] =	vst v1;
	(pc) =	sbr.rel @p0 .LBB2_1-.Ltmp1, $4  }
0x21: {  	[hbm4b:s5+s2] =	stream.linear.scatter [tilespmem:s9], [sflag:$0x1], $0x80, $0x38;
	[tilespmem:$0x2080] =	vst v63  }
0x22: {  	_ =	swait.ge [sflag:s7], $0x80  }
0x23: {  	[sflag:s7] =	ssyncset.done $0x0  }
0x24: {  	[sflag:s7] =	ssyncadd.s32 $0xFFFFFF80  }
0x25: {  	_ =	sfence.sel $0x180000  }
0x26: {  	[bflag:$0x0] =	sbarrier.arrive $0xFFFF  }
0x27: {  	p0 =	sne.s32 s1, $0x0;
	_ =	strace $0x90000047  }
0x28: {  	s0 =	sadd.s32 @!p0 $0x100000, s0;
	[bflag:$0x2] =	sbarrier.arrive $0xFFFF  }
0x29: {  	[sflag:s0] =	ssyncadd.tile.s32 @!p0 $0x1;
	_ =	shalt  }
.Lfunc_end2:
_tile_overlayer_lowered:
.L_overlay_start_2:
0x2a: {  	(tag) =	ssettag $0x2  }
0x2b: {  	s0 =	rddreg [dreg:$0x0];
	s2 =	stileid.u32  }
0x2c: {  	s1 =	rddreg [dreg:$0x1];
	p0 =	sne.s32 s2, $0x0  }
0x2d: {  	s3 =	rddreg [dreg:$0x2];
	[bflag:$0x3] =	sbarrier.arrive $0xFFFF;
	s2 =	simm.s32 @!p0 $0x1C01  }
0x2e: {  	[timem:s3], [sflag:s2] =	dma.local @!p0 [hbm:s0], s1  }
0x2f: {  	s0 =	simm.s32 @!p0 $0x1  }
0x30: {  	_ =	swait.ge @!p0 [sflag:s0], s1  }
0x31: {  	s1 =	ssub.s32 @!p0 $0x0, s1;
	[sflag:s0] =	ssyncset.done @!p0 $0x0  }
0x32: {  	[sflag:s0] =	ssyncadd.s32 @!p0 s1  }
0x33: {  	[bflag:$0x3] =	sbarrier.arrive $0xFFFF  }
0x34: {  	_ =	shalt  }

</sc_bundles>
